<compile_context>
chip_gen: v7x
topology: tpu7x:2x2x1
jax: 0.10.2.dev20260603
libtpu: 0.0.44.dev20260713+nightly
codegen_flags: <defaults>
</compile_context>

<pallas_src>
import functools

import jax
import jax.numpy as jnp
from jax import lax
from jax.experimental import pallas as pl
from jax.experimental.pallas import tpu as pltpu
from jax.experimental.pallas import tpu_sc as plsc

N_NODES = 10000
D = 128
N_EDGES = 320000

NC = 2
NS = 16
LANES = 16
NW = NC * NS
EPW = N_EDGES // NW
CHUNK = 2000
NCHUNK = EPW // CHUNK
CPAD = 2176

BM = 5120


def _tc_body(x_ref, w1_ref, b1_ref, w2_ref, b2_ref, a_ref, out_ref):
    xb = x_ref[...]
    h1 = lax.dot_general(xb, w1_ref[...], (((1,), (1,)), ((), ())),
                         preferred_element_type=jnp.float32)
    h1 = jnp.maximum(h1 + b1_ref[...], 0.0)
    h2 = lax.dot_general(h1, w2_ref[...], (((1,), (1,)), ((), ())),
                         preferred_element_type=jnp.float32)
    h2 = h2 + b2_ref[...]
    s = lax.dot_general(a_ref[...], h2, (((1,), (1,)), ((), ())),
                        preferred_element_type=jnp.float32)
    u = lax.bitcast_convert_type(s, jnp.uint32)
    r = (u + 0x7FFF + ((u >> 16) & 1)) >> 16
    packed = (r[0:1, :] << 16) | r[1:2, :]
    out_ref[...] = lax.bitcast_convert_type(packed, jnp.int32)


def _node_scores(x, W1, b1, W2, b2, a_resh):
    return pl.pallas_call(
        _tc_body,
        grid=(pl.cdiv(N_NODES, BM),),
        in_specs=[
            pl.BlockSpec((BM, D), lambda i: (i, 0)),
            pl.BlockSpec((D, D), lambda i: (0, 0)),
            pl.BlockSpec((1, D), lambda i: (0, 0)),
            pl.BlockSpec((D, D), lambda i: (0, 0)),
            pl.BlockSpec((1, D), lambda i: (0, 0)),
            pl.BlockSpec((2, D), lambda i: (0, 0)),
        ],
        out_specs=pl.BlockSpec((1, BM), lambda i: (0, i)),
        out_shape=jax.ShapeDtypeStruct((1, N_NODES), jnp.int32),
    )(x, W1, b1, W2, b2, a_resh)


_sc_mesh = plsc.VectorSubcoreMesh(core_axis_name="c", subcore_axis_name="s")


@functools.partial(
    pl.kernel,
    mesh=_sc_mesh,
    compiler_params=pltpu.CompilerParams(needs_layout_passes=False),
    out_type=jax.ShapeDtypeStruct((N_EDGES,), jnp.float32),
    scratch_types=[
        pltpu.VMEM((1, N_NODES), jnp.int32),
        pltpu.VMEM((2, CPAD), jnp.int32),
        pltpu.VMEM((2, CPAD), jnp.int32),
        pltpu.VMEM((CHUNK,), jnp.float32),
        pltpu.VMEM((CHUNK,), jnp.float32),
        pltpu.SemaphoreType.DMA,
        pltpu.SemaphoreType.DMA,
        pltpu.SemaphoreType.DMA,
    ],
)
def _sc_edge(tab_hbm, edge_hbm, out_hbm, tab_v, sd_a, sd_b, res_a, res_b,
             semt, semi, semo):
    sd_bufs = (sd_a, sd_b)
    res_bufs = (res_a, res_b)
    wid = lax.axis_index("s") * NC + lax.axis_index("c")
    base = wid * EPW

    def chunk_in(k, buf):
        bk = base + k * CHUNK
        ab = jnp.minimum((bk // 128) * 128, N_EDGES - CPAD)
        return pltpu.async_copy(edge_hbm.at[:, pl.ds(ab, CPAD)],
                                sd_bufs[buf], semi), bk - ab

    ct = pltpu.async_copy(tab_hbm, tab_v, semt)
    ins = {}
    ins[0] = chunk_in(0, 0)
    ins[1] = chunk_in(1, 1)
    ct.wait()

    zero16 = jnp.zeros((LANES,), jnp.int32)
    hi_mask = jnp.full((LANES,), -65536, jnp.int32)
    outs = {}
    for k in range(NCHUNK):
        buf = k % 2
        sd_k = sd_bufs[buf]
        res_k = res_bufs[buf]
        cin, off = ins[k]
        cin.wait()
        if k >= 2:
            outs[k - 2].wait()

        @plsc.parallel_loop(0, CHUNK, step=LANES, unroll=5)
        def body(i):
            sl_in = pl.ds(off + i, LANES)
            w_s = plsc.load_gather(tab_v, [zero16, sd_k[0, sl_in]])
            w_d = plsc.load_gather(tab_v, [zero16, sd_k[1, sl_in]])
            s1 = plsc.bitcast(w_s & hi_mask, jnp.float32)
            s2 = plsc.bitcast(w_d << 16, jnp.float32)
            v = s1 + s2
            t = jnp.exp(-2.0 * jnp.abs(v))
            r = (1.0 - t) / (1.0 + t)
            res_k[pl.ds(i, LANES)] = jnp.where(v < 0.0, -r, r)

        outs[k] = pltpu.async_copy(
            res_k, out_hbm.at[pl.ds(base + k * CHUNK, CHUNK)], semo)
        if k + 2 < NCHUNK:
            ins[k + 2] = chunk_in(k + 2, buf)
    outs[NCHUNK - 2].wait()
    outs[NCHUNK - 1].wait()


def kernel(x, edge_index, W1, b1, W2, b2, a):
    s = _node_scores(x, W1, b1.reshape(1, D), W2, b2.reshape(1, D),
                     a.reshape(2, D))
    return _sc_edge(s, edge_index)

# --- scband reference (transcript-rebuilt; emitter-appended) ---
"""Pipeline reference for scband-mgnnattention-8169027797216 (READ-ONLY COPY).

The authoritative reference and input builder live on the scoring server;
editing this copy changes nothing except your own understanding.
"""

import jax, jax.numpy as jnp
import numpy as np

N_NODES = 10000
D_IN = 128
D_HID = 128
N_EDGES = 320000


def setup_inputs(seed: int = 0) -> dict:
    key = jax.random.key(seed)
    ks = jax.random.split(key, 8)
    x = jax.random.normal(ks[0], (N_NODES, D_IN), dtype=jnp.float32)
    edge_index = jax.random.randint(ks[1], (2, N_EDGES), 0, N_NODES, dtype=jnp.int32)
    # MLP(channel_list=[128,128,128], norm=None, plain_last=True):
    # lin1 (with bias) -> relu -> dropout(0.0) -> lin2 (with bias)
    W1 = jax.random.normal(ks[2], (D_HID, D_IN), dtype=jnp.float32) * (1.0 / np.sqrt(D_IN))
    b1 = jnp.zeros((D_HID,), dtype=jnp.float32)
    W2 = jax.random.normal(ks[3], (D_HID, D_HID), dtype=jnp.float32) * (1.0 / np.sqrt(D_HID))
    b2 = jnp.zeros((D_HID,), dtype=jnp.float32)
    # attention vector a: Linear(2*hidden, 1, bias=False), glorot
    a = jax.random.normal(ks[4], (1, 2 * D_HID), dtype=jnp.float32) * np.sqrt(6.0 / (2 * D_HID + 1))
    return {"x": x, "edge_index": edge_index, "W1": W1, "b1": b1, "W2": W2, "b2": b2, "a": a}


def reference(x, edge_index, W1, b1, W2, b2, a):
    # initial MLP (dropout=0.0 -> identity in eval)
    h = jax.nn.relu(x @ W1.T + b1)
    h = h @ W2.T + b2
    # gather endpoint features per edge
    x_i = jnp.take(h, edge_index[0], axis=0)
    x_j = jnp.take(h, edge_index[1], axis=0)
    # method == 'concat': tanh(a([x_i || x_j])).flatten()
    edge_attention = jnp.tanh(jnp.concatenate([x_i, x_j], axis=1) @ a.T).reshape(-1)
    return edge_attention

if __name__ == "__main__":
    import jax
    _d = setup_inputs()
    print(jax.jit(kernel)(*tuple(_d.values())))

</pallas_src>

<mosaic_0001>
#map = affine_map<(d0, d1) -> (0, 0)>
#map1 = affine_map<(d0, d1) -> (0)>
module attributes {stable_mosaic.version = 14 : i64} {
  func.func @_sc_edge(%arg0: i32, %arg1: i32, %arg2: memref<1x10000xi32, #tpu.memory_space<hbm>>, %arg3: memref<2x320000xi32, #tpu.memory_space<hbm>>, %arg4: memref<320000xf32, #tpu.memory_space<hbm>>, %arg5: memref<1x10000xi32, #tpu.memory_space<vmem>>, %arg6: memref<2x2176xi32, #tpu.memory_space<vmem>>, %arg7: memref<2x2176xi32, #tpu.memory_space<vmem>>, %arg8: memref<2000xf32, #tpu.memory_space<vmem>>, %arg9: memref<2000xf32, #tpu.memory_space<vmem>>, %arg10: memref<!tpu.dma_semaphore, #tpu.memory_space<semaphore_mem>>, %arg11: memref<!tpu.dma_semaphore, #tpu.memory_space<semaphore_mem>>, %arg12: memref<!tpu.dma_semaphore, #tpu.memory_space<semaphore_mem>>) attributes {dimension_semantics = [#tpu.dimension_semantics<core_parallel>, #tpu.dimension_semantics<subcore_parallel>], iteration_bounds = array<i64: 2, 16>, scalar_prefetch = 0 : i64, scratch_operands = 8 : i64, tpu.core_type = #tpu.core_type<sc_vector_subcore>, window_params = [{transform_indices = #map}, {transform_indices = #map}, {transform_indices = #map1}]} {
    %mul3A = arith.constant 2 : i32
    %mul3A_0 = arith.muli %arg1, %mul3A : i32
    %add3A = arith.addi %mul3A_0, %arg0 : i32
    %mul3A_1 = arith.constant 10000 : i32
    %mul3A_2 = arith.muli %add3A, %mul3A_1 : i32
    tpu.enqueue_dma source(%arg2 : memref<1x10000xi32, #tpu.memory_space<hbm>>) target(%arg5 : memref<1x10000xi32, #tpu.memory_space<vmem>>) target_semaphore(%arg10 : memref<!tpu.dma_semaphore, #tpu.memory_space<semaphore_mem>>)
    %add3A_3 = arith.constant 0 : i32
    %add3A_4 = arith.addi %mul3A_2, %add3A_3 : i32
    %jit3A = arith.constant 128 : i32
    %div3A = arith.divsi %add3A_4, %jit3A : i32
    %sign3A = arith.constant 0 : i32
    %sign3A_5 = arith.cmpi sgt, %add3A_4, %sign3A : i32
    %sign3A_6 = arith.extui %sign3A_5 : i1 to i32
    %sign3A_7 = arith.constant 0 : i32
    %sign3A_8 = arith.cmpi slt, %add3A_4, %sign3A_7 : i32
    %sign3A_9 = arith.extui %sign3A_8 : i1 to i32
    %sign3A_10 = arith.subi %sign3A_6, %sign3A_9 : i32
    %sign3A_11 = arith.constant 0 : i32
    %sign3A_12 = arith.cmpi sgt, %jit3A, %sign3A_11 : i32
    %sign3A_13 = arith.extui %sign3A_12 : i1 to i32
    %sign3A_14 = arith.constant 0 : i32
    %sign3A_15 = arith.cmpi slt, %jit3A, %sign3A_14 : i32
    %sign3A_16 = arith.extui %sign3A_15 : i1 to i32
    %sign3A_17 = arith.subi %sign3A_13, %sign3A_16 : i32
    %ne3A = arith.cmpi ne, %sign3A_10, %sign3A_17 : i32
    %rem3A = arith.remsi %add3A_4, %jit3A : i32
    %ne3A_18 = arith.constant 0 : i32
    %ne3A_19 = arith.cmpi ne, %rem3A, %ne3A_18 : i32
    %and3A = arith.andi %ne3A, %ne3A_19 : i1
    %sub3A = arith.constant 1 : i32
    %sub3A_20 = arith.subi %div3A, %sub3A : i32
    %select_n3A = arith.select %and3A, %sub3A_20, %div3A : i32
    %mul3A_21 = arith.constant 128 : i32
    %mul3A_22 = arith.muli %select_n3A, %mul3A_21 : i32
    %min3A = arith.constant 317824 : i32
    %min3A_23 = arith.minsi %mul3A_22, %min3A : i32
    %dma_start3A = arith.constant 0 : i32
    %dma_start3A_24 = tpu.memref_slice %arg3[%dma_start3A, %min3A_23] : memref<2x320000xi32, #tpu.memory_space<hbm>> -> memref<2x2176xi32, #tpu.memory_space<hbm>>
    %dma_start3A_25 = arith.constant 0 : i32
    %dma_start3A_26 = tpu.memref_slice %arg3[%dma_start3A_25, %min3A_23] : memref<2x320000xi32, #tpu.memory_space<hbm>> -> memref<2x2176xi32, #tpu.memory_space<hbm>>
    tpu.enqueue_dma source(%dma_start3A_26 : memref<2x2176xi32, #tpu.memory_space<hbm>>) target(%arg6 : memref<2x2176xi32, #tpu.memory_space<vmem>>) target_semaphore(%arg11 : memref<!tpu.dma_semaphore, #tpu.memory_space<semaphore_mem>>)
    %sub3A_27 = arith.subi %add3A_4, %min3A_23 : i32
    %add3A_28 = arith.constant 2000 : i32
    %add3A_29 = arith.addi %mul3A_2, %add3A_28 : i32
    %jit3A_30 = arith.constant 128 : i32
    %div3A_31 = arith.divsi %add3A_29, %jit3A_30 : i32
    %sign3A_32 = arith.constant 0 : i32
    %sign3A_33 = arith.cmpi sgt, %add3A_29, %sign3A_32 : i32
    %sign3A_34 = arith.extui %sign3A_33 : i1 to i32
    %sign3A_35 = arith.constant 0 : i32
    %sign3A_36 = arith.cmpi slt, %add3A_29, %sign3A_35 : i32
    %sign3A_37 = arith.extui %sign3A_36 : i1 to i32
    %sign3A_38 = arith.subi %sign3A_34, %sign3A_37 : i32
    %sign3A_39 = arith.constant 0 : i32
    %sign3A_40 = arith.cmpi sgt, %jit3A_30, %sign3A_39 : i32
    %sign3A_41 = arith.extui %sign3A_40 : i1 to i32
    %sign3A_42 = arith.constant 0 : i32
    %sign3A_43 = arith.cmpi slt, %jit3A_30, %sign3A_42 : i32
    %sign3A_44 = arith.extui %sign3A_43 : i1 to i32
    %sign3A_45 = arith.subi %sign3A_41, %sign3A_44 : i32
    %ne3A_46 = arith.cmpi ne, %sign3A_38, %sign3A_45 : i32
    %rem3A_47 = arith.remsi %add3A_29, %jit3A_30 : i32
    %ne3A_48 = arith.constant 0 : i32
    %ne3A_49 = arith.cmpi ne, %rem3A_47, %ne3A_48 : i32
    %and3A_50 = arith.andi %ne3A_46, %ne3A_49 : i1
    %sub3A_51 = arith.constant 1 : i32
    %sub3A_52 = arith.subi %div3A_31, %sub3A_51 : i32
    %select_n3A_53 = arith.select %and3A_50, %sub3A_52, %div3A_31 : i32
    %mul3A_54 = arith.constant 128 : i32
    %mul3A_55 = arith.muli %select_n3A_53, %mul3A_54 : i32
    %min3A_56 = arith.constant 317824 : i32
    %min3A_57 = arith.minsi %mul3A_55, %min3A_56 : i32
    %dma_start3A_58 = arith.constant 0 : i32
    %dma_start3A_59 = tpu.memref_slice %arg3[%dma_start3A_58, %min3A_57] : memref<2x320000xi32, #tpu.memory_space<hbm>> -> memref<2x2176xi32, #tpu.memory_space<hbm>>
    %dma_start3A_60 = arith.constant 0 : i32
    %dma_start3A_61 = tpu.memref_slice %arg3[%dma_start3A_60, %min3A_57] : memref<2x320000xi32, #tpu.memory_space<hbm>> -> memref<2x2176xi32, #tpu.memory_space<hbm>>
    tpu.enqueue_dma source(%dma_start3A_61 : memref<2x2176xi32, #tpu.memory_space<hbm>>) target(%arg7 : memref<2x2176xi32, #tpu.memory_space<vmem>>) target_semaphore(%arg11 : memref<!tpu.dma_semaphore, #tpu.memory_space<semaphore_mem>>)
    %sub3A_62 = arith.subi %add3A_29, %min3A_57 : i32
    tpu.wait_dma2 semaphore(%arg10 : memref<!tpu.dma_semaphore, #tpu.memory_space<semaphore_mem>>) src(%arg2 : memref<1x10000xi32, #tpu.memory_space<hbm>>) dst(%arg5 : memref<1x10000xi32, #tpu.memory_space<vmem>>)
    %broadcast_in_dim3A = arith.constant 0 : i32
    %broadcast_in_dim3A_63 = vector.broadcast %broadcast_in_dim3A : i32 to vector<16xi32>
    %broadcast_in_dim3A_64 = arith.constant -65536 : i32
    %broadcast_in_dim3A_65 = vector.broadcast %broadcast_in_dim3A_64 : i32 to vector<16xi32>
    %dma_wait3A = arith.constant 0 : i32
    %dma_wait3A_66 = tpu.memref_slice %arg3[%dma_wait3A, %min3A_23] : memref<2x320000xi32, #tpu.memory_space<hbm>> -> memref<2x2176xi32, #tpu.memory_space<hbm>>
    %dma_wait3A_67 = arith.constant 0 : i32
    %dma_wait3A_68 = tpu.memref_slice %arg3[%dma_wait3A_67, %min3A_23] : memref<2x320000xi32, #tpu.memory_space<hbm>> -> memref<2x2176xi32, #tpu.memory_space<hbm>>
    tpu.wait_dma2 semaphore(%arg11 : memref<!tpu.dma_semaphore, #tpu.memory_space<semaphore_mem>>) src(%dma_wait3A_68 : memref<2x2176xi32, #tpu.memory_space<hbm>>) dst(%arg6 : memref<2x2176xi32, #tpu.memory_space<vmem>>)
    %parallel_loop3A = arith.constant 0 : i32
    %parallel_loop3A_69 = arith.constant 2000 : i32
    %parallel_loop3A_70 = arith.constant 16 : i32
    scf.for %parallel_loop3A_234 = %parallel_loop3A to %parallel_loop3A_69 step %parallel_loop3A_70  : i32 {
      %parallel_loop3A_235 = arith.addi %sub3A_27, %parallel_loop3A_234 : i32
      %parallel_loop3A_236 = arith.constant 0 : i32
      %parallel_loop3A_237 = arith.index_cast %parallel_loop3A_236 : i32 to index
      %parallel_loop3A_238 = arith.index_cast %parallel_loop3A_235 : i32 to index
      %parallel_loop3A_239 = tpu.vector_load %arg6[%parallel_loop3A_237, %parallel_loop3A_238] {strides = array<i32>} : memref<2x2176xi32, #tpu.memory_space<vmem>>, vector<16xi32>,
      %parallel_loop3A_240 = tpu.vector_load_idx %arg5[%broadcast_in_dim3A_63, %parallel_loop3A_239] : memref<1x10000xi32, #tpu.memory_space<vmem>>[vector<16xi32>, vector<16xi32>], vector<16xi32>,
      %parallel_loop3A_241 = arith.constant 1 : i32
      %parallel_loop3A_242 = arith.index_cast %parallel_loop3A_241 : i32 to index
      %parallel_loop3A_243 = arith.index_cast %parallel_loop3A_235 : i32 to index
      %parallel_loop3A_244 = tpu.vector_load %arg6[%parallel_loop3A_242, %parallel_loop3A_243] {strides = array<i32>} : memref<2x2176xi32, #tpu.memory_space<vmem>>, vector<16xi32>,
      %parallel_loop3A_245 = tpu.vector_load_idx %arg5[%broadcast_in_dim3A_63, %parallel_loop3A_244] : memref<1x10000xi32, #tpu.memory_space<vmem>>[vector<16xi32>, vector<16xi32>], vector<16xi32>,
      %parallel_loop3A_246 = arith.andi %parallel_loop3A_240, %broadcast_in_dim3A_65 : vector<16xi32>
      %parallel_loop3A_247 = vector.bitcast %parallel_loop3A_246 : vector<16xi32> to vector<16xf32>
      %parallel_loop3A_248 = arith.constant 16 : i32
      %parallel_loop3A_249 = vector.broadcast %parallel_loop3A_248 : i32 to vector<16xi32>
      %parallel_loop3A_250 = arith.shli %parallel_loop3A_245, %parallel_loop3A_249 : vector<16xi32>
      %parallel_loop3A_251 = vector.bitcast %parallel_loop3A_250 : vector<16xi32> to vector<16xf32>
      %parallel_loop3A_252 = arith.addf %parallel_loop3A_247, %parallel_loop3A_251 : vector<16xf32>
      %parallel_loop3A_253 = math.absf %parallel_loop3A_252 : vector<16xf32>
      %parallel_loop3A_254 = arith.constant -2.000000e+00 : f32
      %parallel_loop3A_255 = vector.broadcast %parallel_loop3A_254 : f32 to vector<16xf32>
      %parallel_loop3A_256 = arith.mulf %parallel_loop3A_255, %parallel_loop3A_253 : vector<16xf32>
      %parallel_loop3A_257 = math.exp %parallel_loop3A_256 : vector<16xf32>
      %parallel_loop3A_258 = arith.constant 1.000000e+00 : f32
      %parallel_loop3A_259 = vector.broadcast %parallel_loop3A_258 : f32 to vector<16xf32>
      %parallel_loop3A_260 = arith.subf %parallel_loop3A_259, %parallel_loop3A_257 : vector<16xf32>
      %parallel_loop3A_261 = arith.constant 1.000000e+00 : f32
      %parallel_loop3A_262 = vector.broadcast %parallel_loop3A_261 : f32 to vector<16xf32>
      %parallel_loop3A_263 = arith.addf %parallel_loop3A_262, %parallel_loop3A_257 : vector<16xf32>
      %parallel_loop3A_264 = arith.divf %parallel_loop3A_260, %parallel_loop3A_263 : vector<16xf32>
      %parallel_loop3A_265 = arith.constant 0.000000e+00 : f32
      %parallel_loop3A_266 = vector.broadcast %parallel_loop3A_265 : f32 to vector<16xf32>
      %parallel_loop3A_267 = arith.cmpf olt, %parallel_loop3A_252, %parallel_loop3A_266 : vector<16xf32>
      %parallel_loop3A_268 = arith.constant 0.000000e+00 : f32
      %parallel_loop3A_269 = vector.broadcast %parallel_loop3A_268 : f32 to vector<16xf32>
      %parallel_loop3A_270 = arith.subf %parallel_loop3A_269, %parallel_loop3A_264 : vector<16xf32>
      %parallel_loop3A_271 = arith.select %parallel_loop3A_267, %parallel_loop3A_270, %parallel_loop3A_264 : vector<16xi1>, vector<16xf32>
      %parallel_loop3A_272 = arith.index_cast %parallel_loop3A_234 : i32 to index
      %parallel_loop3A_273 = tpu.vector_load %arg8[%parallel_loop3A_272] {strides = array<i32>} : memref<2000xf32, #tpu.memory_space<vmem>>, vector<16xf32>,
      tpu.vector_store %arg8[%parallel_loop3A_272], %parallel_loop3A_271 {strides = array<i32>} : memref<2000xf32, #tpu.memory_space<vmem>>, vector<16xf32>,
    } {sc.loop_unroll_factor = 5 : i64, sc.parallel_access}
    %add3A_71 = arith.constant 0 : i32
    %add3A_72 = arith.addi %mul3A_2, %add3A_71 : i32
    %dma_start3A_73 = tpu.memref_slice %arg4[%add3A_72] : memref<320000xf32, #tpu.memory_space<hbm>> -> memref<2000xf32, #tpu.memory_space<hbm>>
    %dma_start3A_74 = tpu.memref_slice %arg4[%add3A_72] : memref<320000xf32, #tpu.memory_space<hbm>> -> memref<2000xf32, #tpu.memory_space<hbm>>
    tpu.enqueue_dma source(%arg8 : memref<2000xf32, #tpu.memory_space<vmem>>) target(%dma_start3A_74 : memref<2000xf32, #tpu.memory_space<hbm>>) target_semaphore(%arg12 : memref<!tpu.dma_semaphore, #tpu.memory_space<semaphore_mem>>)
    %add3A_75 = arith.constant 4000 : i32
    %add3A_76 = arith.addi %mul3A_2, %add3A_75 : i32
    %jit3A_77 = arith.constant 128 : i32
    %div3A_78 = arith.divsi %add3A_76, %jit3A_77 : i32
    %sign3A_79 = arith.constant 0 : i32
    %sign3A_80 = arith.cmpi sgt, %add3A_76, %sign3A_79 : i32
    %sign3A_81 = arith.extui %sign3A_80 : i1 to i32
    %sign3A_82 = arith.constant 0 : i32
    %sign3A_83 = arith.cmpi slt, %add3A_76, %sign3A_82 : i32
    %sign3A_84 = arith.extui %sign3A_83 : i1 to i32
    %sign3A_85 = arith.subi %sign3A_81, %sign3A_84 : i32
    %sign3A_86 = arith.constant 0 : i32
    %sign3A_87 = arith.cmpi sgt, %jit3A_77, %sign3A_86 : i32
    %sign3A_88 = arith.extui %sign3A_87 : i1 to i32
    %sign3A_89 = arith.constant 0 : i32
    %sign3A_90 = arith.cmpi slt, %jit3A_77, %sign3A_89 : i32
    %sign3A_91 = arith.extui %sign3A_90 : i1 to i32
    %sign3A_92 = arith.subi %sign3A_88, %sign3A_91 : i32
    %ne3A_93 = arith.cmpi ne, %sign3A_85, %sign3A_92 : i32
    %rem3A_94 = arith.remsi %add3A_76, %jit3A_77 : i32
    %ne3A_95 = arith.constant 0 : i32
    %ne3A_96 = arith.cmpi ne, %rem3A_94, %ne3A_95 : i32
    %and3A_97 = arith.andi %ne3A_93, %ne3A_96 : i1
    %sub3A_98 = arith.constant 1 : i32
    %sub3A_99 = arith.subi %div3A_78, %sub3A_98 : i32
    %select_n3A_100 = arith.select %and3A_97, %sub3A_99, %div3A_78 : i32
    %mul3A_101 = arith.constant 128 : i32
    %mul3A_102 = arith.muli %select_n3A_100, %mul3A_101 : i32
    %min3A_103 = arith.constant 317824 : i32
    %min3A_104 = arith.minsi %mul3A_102, %min3A_103 : i32
    %dma_start3A_105 = arith.constant 0 : i32
    %dma_start3A_106 = tpu.memref_slice %arg3[%dma_start3A_105, %min3A_104] : memref<2x320000xi32, #tpu.memory_space<hbm>> -> memref<2x2176xi32, #tpu.memory_space<hbm>>
    %dma_start3A_107 = arith.constant 0 : i32
    %dma_start3A_108 = tpu.memref_slice %arg3[%dma_start3A_107, %min3A_104] : memref<2x320000xi32, #tpu.memory_space<hbm>> -> memref<2x2176xi32, #tpu.memory_space<hbm>>
    tpu.enqueue_dma source(%dma_start3A_108 : memref<2x2176xi32, #tpu.memory_space<hbm>>) target(%arg6 : memref<2x2176xi32, #tpu.memory_space<vmem>>) target_semaphore(%arg11 : memref<!tpu.dma_semaphore, #tpu.memory_space<semaphore_mem>>)
    %sub3A_109 = arith.subi %add3A_76, %min3A_104 : i32
    %dma_wait3A_110 = arith.constant 0 : i32
    %dma_wait3A_111 = tpu.memref_slice %arg3[%dma_wait3A_110, %min3A_57] : memref<2x320000xi32, #tpu.memory_space<hbm>> -> memref<2x2176xi32, #tpu.memory_space<hbm>>
    %dma_wait3A_112 = arith.constant 0 : i32
    %dma_wait3A_113 = tpu.memref_slice %arg3[%dma_wait3A_112, %min3A_57] : memref<2x320000xi32, #tpu.memory_space<hbm>> -> memref<2x2176xi32, #tpu.memory_space<hbm>>
    tpu.wait_dma2 semaphore(%arg11 : memref<!tpu.dma_semaphore, #tpu.memory_space<semaphore_mem>>) src(%dma_wait3A_113 : memref<2x2176xi32, #tpu.memory_space<hbm>>) dst(%arg7 : memref<2x2176xi32, #tpu.memory_space<vmem>>)
    %parallel_loop3A_114 = arith.constant 0 : i32
    %parallel_loop3A_115 = arith.constant 2000 : i32
    %parallel_loop3A_116 = arith.constant 16 : i32
    scf.for %parallel_loop3A_234 = %parallel_loop3A_114 to %parallel_loop3A_115 step %parallel_loop3A_116  : i32 {
      %parallel_loop3A_235 = arith.addi %sub3A_62, %parallel_loop3A_234 : i32
      %parallel_loop3A_236 = arith.constant 0 : i32
      %parallel_loop3A_237 = arith.index_cast %parallel_loop3A_236 : i32 to index
      %parallel_loop3A_238 = arith.index_cast %parallel_loop3A_235 : i32 to index
      %parallel_loop3A_239 = tpu.vector_load %arg7[%parallel_loop3A_237, %parallel_loop3A_238] {strides = array<i32>} : memref<2x2176xi32, #tpu.memory_space<vmem>>, vector<16xi32>,
      %parallel_loop3A_240 = tpu.vector_load_idx %arg5[%broadcast_in_dim3A_63, %parallel_loop3A_239] : memref<1x10000xi32, #tpu.memory_space<vmem>>[vector<16xi32>, vector<16xi32>], vector<16xi32>,
      %parallel_loop3A_241 = arith.constant 1 : i32
      %parallel_loop3A_242 = arith.index_cast %parallel_loop3A_241 : i32 to index
      %parallel_loop3A_243 = arith.index_cast %parallel_loop3A_235 : i32 to index
      %parallel_loop3A_244 = tpu.vector_load %arg7[%parallel_loop3A_242, %parallel_loop3A_243] {strides = array<i32>} : memref<2x2176xi32, #tpu.memory_space<vmem>>, vector<16xi32>,
      %parallel_loop3A_245 = tpu.vector_load_idx %arg5[%broadcast_in_dim3A_63, %parallel_loop3A_244] : memref<1x10000xi32, #tpu.memory_space<vmem>>[vector<16xi32>, vector<16xi32>], vector<16xi32>,
      %parallel_loop3A_246 = arith.andi %parallel_loop3A_240, %broadcast_in_dim3A_65 : vector<16xi32>
      %parallel_loop3A_247 = vector.bitcast %parallel_loop3A_246 : vector<16xi32> to vector<16xf32>
      %parallel_loop3A_248 = arith.constant 16 : i32
      %parallel_loop3A_249 = vector.broadcast %parallel_loop3A_248 : i32 to vector<16xi32>
      %parallel_loop3A_250 = arith.shli %parallel_loop3A_245, %parallel_loop3A_249 : vector<16xi32>
      %parallel_loop3A_251 = vector.bitcast %parallel_loop3A_250 : vector<16xi32> to vector<16xf32>
      %parallel_loop3A_252 = arith.addf %parallel_loop3A_247, %parallel_loop3A_251 : vector<16xf32>
      %parallel_loop3A_253 = math.absf %parallel_loop3A_252 : vector<16xf32>
      %parallel_loop3A_254 = arith.constant -2.000000e+00 : f32
      %parallel_loop3A_255 = vector.broadcast %parallel_loop3A_254 : f32 to vector<16xf32>
      %parallel_loop3A_256 = arith.mulf %parallel_loop3A_255, %parallel_loop3A_253 : vector<16xf32>
      %parallel_loop3A_257 = math.exp %parallel_loop3A_256 : vector<16xf32>
      %parallel_loop3A_258 = arith.constant 1.000000e+00 : f32
      %parallel_loop3A_259 = vector.broadcast %parallel_loop3A_258 : f32 to vector<16xf32>
      %parallel_loop3A_260 = arith.subf %parallel_loop3A_259, %parallel_loop3A_257 : vector<16xf32>
      %parallel_loop3A_261 = arith.constant 1.000000e+00 : f32
      %parallel_loop3A_262 = vector.broadcast %parallel_loop3A_261 : f32 to vector<16xf32>
      %parallel_loop3A_263 = arith.addf %parallel_loop3A_262, %parallel_loop3A_257 : vector<16xf32>
      %parallel_loop3A_264 = arith.divf %parallel_loop3A_260, %parallel_loop3A_263 : vector<16xf32>
      %parallel_loop3A_265 = arith.constant 0.000000e+00 : f32
      %parallel_loop3A_266 = vector.broadcast %parallel_loop3A_265 : f32 to vector<16xf32>
      %parallel_loop3A_267 = arith.cmpf olt, %parallel_loop3A_252, %parallel_loop3A_266 : vector<16xf32>
      %parallel_loop3A_268 = arith.constant 0.000000e+00 : f32
      %parallel_loop3A_269 = vector.broadcast %parallel_loop3A_268 : f32 to vector<16xf32>
      %parallel_loop3A_270 = arith.subf %parallel_loop3A_269, %parallel_loop3A_264 : vector<16xf32>
      %parallel_loop3A_271 = arith.select %parallel_loop3A_267, %parallel_loop3A_270, %parallel_loop3A_264 : vector<16xi1>, vector<16xf32>
      %parallel_loop3A_272 = arith.index_cast %parallel_loop3A_234 : i32 to index
      %parallel_loop3A_273 = tpu.vector_load %arg9[%parallel_loop3A_272] {strides = array<i32>} : memref<2000xf32, #tpu.memory_space<vmem>>, vector<16xf32>,
      tpu.vector_store %arg9[%parallel_loop3A_272], %parallel_loop3A_271 {strides = array<i32>} : memref<2000xf32, #tpu.memory_space<vmem>>, vector<16xf32>,
    } {sc.loop_unroll_factor = 5 : i64, sc.parallel_access}
    %add3A_117 = arith.constant 2000 : i32
    %add3A_118 = arith.addi %mul3A_2, %add3A_117 : i32
    %dma_start3A_119 = tpu.memref_slice %arg4[%add3A_118] : memref<320000xf32, #tpu.memory_space<hbm>> -> memref<2000xf32, #tpu.memory_space<hbm>>
    %dma_start3A_120 = tpu.memref_slice %arg4[%add3A_118] : memref<320000xf32, #tpu.memory_space<hbm>> -> memref<2000xf32, #tpu.memory_space<hbm>>
    tpu.enqueue_dma source(%arg9 : memref<2000xf32, #tpu.memory_space<vmem>>) target(%dma_start3A_120 : memref<2000xf32, #tpu.memory_space<hbm>>) target_semaphore(%arg12 : memref<!tpu.dma_semaphore, #tpu.memory_space<semaphore_mem>>)
    %add3A_121 = arith.constant 6000 : i32
    %add3A_122 = arith.addi %mul3A_2, %add3A_121 : i32
    %jit3A_123 = arith.constant 128 : i32
    %div3A_124 = arith.divsi %add3A_122, %jit3A_123 : i32
    %sign3A_125 = arith.constant 0 : i32
    %sign3A_126 = arith.cmpi sgt, %add3A_122, %sign3A_125 : i32
    %sign3A_127 = arith.extui %sign3A_126 : i1 to i32
    %sign3A_128 = arith.constant 0 : i32
    %sign3A_129 = arith.cmpi slt, %add3A_122, %sign3A_128 : i32
    %sign3A_130 = arith.extui %sign3A_129 : i1 to i32
    %sign3A_131 = arith.subi %sign3A_127, %sign3A_130 : i32
    %sign3A_132 = arith.constant 0 : i32
    %sign3A_133 = arith.cmpi sgt, %jit3A_123, %sign3A_132 : i32
    %sign3A_134 = arith.extui %sign3A_133 : i1 to i32
    %sign3A_135 = arith.constant 0 : i32
    %sign3A_136 = arith.cmpi slt, %jit3A_123, %sign3A_135 : i32
    %sign3A_137 = arith.extui %sign3A_136 : i1 to i32
    %sign3A_138 = arith.subi %sign3A_134, %sign3A_137 : i32
    %ne3A_139 = arith.cmpi ne, %sign3A_131, %sign3A_138 : i32
    %rem3A_140 = arith.remsi %add3A_122, %jit3A_123 : i32
    %ne3A_141 = arith.constant 0 : i32
    %ne3A_142 = arith.cmpi ne, %rem3A_140, %ne3A_141 : i32
    %and3A_143 = arith.andi %ne3A_139, %ne3A_142 : i1
    %sub3A_144 = arith.constant 1 : i32
    %sub3A_145 = arith.subi %div3A_124, %sub3A_144 : i32
    %select_n3A_146 = arith.select %and3A_143, %sub3A_145, %div3A_124 : i32
    %mul3A_147 = arith.constant 128 : i32
    %mul3A_148 = arith.muli %select_n3A_146, %mul3A_147 : i32
    %min3A_149 = arith.constant 317824 : i32
    %min3A_150 = arith.minsi %mul3A_148, %min3A_149 : i32
    %dma_start3A_151 = arith.constant 0 : i32
    %dma_start3A_152 = tpu.memref_slice %arg3[%dma_start3A_151, %min3A_150] : memref<2x320000xi32, #tpu.memory_space<hbm>> -> memref<2x2176xi32, #tpu.memory_space<hbm>>
    %dma_start3A_153 = arith.constant 0 : i32
    %dma_start3A_154 = tpu.memref_slice %arg3[%dma_start3A_153, %min3A_150] : memref<2x320000xi32, #tpu.memory_space<hbm>> -> memref<2x2176xi32, #tpu.memory_space<hbm>>
    tpu.enqueue_dma source(%dma_start3A_154 : memref<2x2176xi32, #tpu.memory_space<hbm>>) target(%arg7 : memref<2x2176xi32, #tpu.memory_space<vmem>>) target_semaphore(%arg11 : memref<!tpu.dma_semaphore, #tpu.memory_space<semaphore_mem>>)
    %sub3A_155 = arith.subi %add3A_122, %min3A_150 : i32
    %dma_wait3A_156 = arith.constant 0 : i32
    %dma_wait3A_157 = tpu.memref_slice %arg3[%dma_wait3A_156, %min3A_104] : memref<2x320000xi32, #tpu.memory_space<hbm>> -> memref<2x2176xi32, #tpu.memory_space<hbm>>
    %dma_wait3A_158 = arith.constant 0 : i32
    %dma_wait3A_159 = tpu.memref_slice %arg3[%dma_wait3A_158, %min3A_104] : memref<2x320000xi32, #tpu.memory_space<hbm>> -> memref<2x2176xi32, #tpu.memory_space<hbm>>
    tpu.wait_dma2 semaphore(%arg11 : memref<!tpu.dma_semaphore, #tpu.memory_space<semaphore_mem>>) src(%dma_wait3A_159 : memref<2x2176xi32, #tpu.memory_space<hbm>>) dst(%arg6 : memref<2x2176xi32, #tpu.memory_space<vmem>>)
    %dma_wait3A_160 = tpu.memref_slice %arg4[%add3A_72] : memref<320000xf32, #tpu.memory_space<hbm>> -> memref<2000xf32, #tpu.memory_space<hbm>>
    %dma_wait3A_161 = tpu.memref_slice %arg4[%add3A_72] : memref<320000xf32, #tpu.memory_space<hbm>> -> memref<2000xf32, #tpu.memory_space<hbm>>
    tpu.wait_dma2 semaphore(%arg12 : memref<!tpu.dma_semaphore, #tpu.memory_space<semaphore_mem>>) src(%arg8 : memref<2000xf32, #tpu.memory_space<vmem>>) dst(%dma_wait3A_161 : memref<2000xf32, #tpu.memory_space<hbm>>)
    %parallel_loop3A_162 = arith.constant 0 : i32
    %parallel_loop3A_163 = arith.constant 2000 : i32
    %parallel_loop3A_164 = arith.constant 16 : i32
    scf.for %parallel_loop3A_234 = %parallel_loop3A_162 to %parallel_loop3A_163 step %parallel_loop3A_164  : i32 {
      %parallel_loop3A_235 = arith.addi %sub3A_109, %parallel_loop3A_234 : i32
      %parallel_loop3A_236 = arith.constant 0 : i32
      %parallel_loop3A_237 = arith.index_cast %parallel_loop3A_236 : i32 to index
      %parallel_loop3A_238 = arith.index_cast %parallel_loop3A_235 : i32 to index
      %parallel_loop3A_239 = tpu.vector_load %arg6[%parallel_loop3A_237, %parallel_loop3A_238] {strides = array<i32>} : memref<2x2176xi32, #tpu.memory_space<vmem>>, vector<16xi32>,
      %parallel_loop3A_240 = tpu.vector_load_idx %arg5[%broadcast_in_dim3A_63, %parallel_loop3A_239] : memref<1x10000xi32, #tpu.memory_space<vmem>>[vector<16xi32>, vector<16xi32>], vector<16xi32>,
      %parallel_loop3A_241 = arith.constant 1 : i32
      %parallel_loop3A_242 = arith.index_cast %parallel_loop3A_241 : i32 to index
      %parallel_loop3A_243 = arith.index_cast %parallel_loop3A_235 : i32 to index
      %parallel_loop3A_244 = tpu.vector_load %arg6[%parallel_loop3A_242, %parallel_loop3A_243] {strides = array<i32>} : memref<2x2176xi32, #tpu.memory_space<vmem>>, vector<16xi32>,
      %parallel_loop3A_245 = tpu.vector_load_idx %arg5[%broadcast_in_dim3A_63, %parallel_loop3A_244] : memref<1x10000xi32, #tpu.memory_space<vmem>>[vector<16xi32>, vector<16xi32>], vector<16xi32>,
      %parallel_loop3A_246 = arith.andi %parallel_loop3A_240, %broadcast_in_dim3A_65 : vector<16xi32>
      %parallel_loop3A_247 = vector.bitcast %parallel_loop3A_246 : vector<16xi32> to vector<16xf32>
      %parallel_loop3A_248 = arith.constant 16 : i32
      %parallel_loop3A_249 = vector.broadcast %parallel_loop3A_248 : i32 to vector<16xi32>
      %parallel_loop3A_250 = arith.shli %parallel_loop3A_245, %parallel_loop3A_249 : vector<16xi32>
      %parallel_loop3A_251 = vector.bitcast %parallel_loop3A_250 : vector<16xi32> to vector<16xf32>
      %parallel_loop3A_252 = arith.addf %parallel_loop3A_247, %parallel_loop3A_251 : vector<16xf32>
      %parallel_loop3A_253 = math.absf %parallel_loop3A_252 : vector<16xf32>
      %parallel_loop3A_254 = arith.constant -2.000000e+00 : f32
      %parallel_loop3A_255 = vector.broadcast %parallel_loop3A_254 : f32 to vector<16xf32>
      %parallel_loop3A_256 = arith.mulf %parallel_loop3A_255, %parallel_loop3A_253 : vector<16xf32>
      %parallel_loop3A_257 = math.exp %parallel_loop3A_256 : vector<16xf32>
      %parallel_loop3A_258 = arith.constant 1.000000e+00 : f32
      %parallel_loop3A_259 = vector.broadcast %parallel_loop3A_258 : f32 to vector<16xf32>
      %parallel_loop3A_260 = arith.subf %parallel_loop3A_259, %parallel_loop3A_257 : vector<16xf32>
      %parallel_loop3A_261 = arith.constant 1.000000e+00 : f32
      %parallel_loop3A_262 = vector.broadcast %parallel_loop3A_261 : f32 to vector<16xf32>
      %parallel_loop3A_263 = arith.addf %parallel_loop3A_262, %parallel_loop3A_257 : vector<16xf32>
      %parallel_loop3A_264 = arith.divf %parallel_loop3A_260, %parallel_loop3A_263 : vector<16xf32>
      %parallel_loop3A_265 = arith.constant 0.000000e+00 : f32
      %parallel_loop3A_266 = vector.broadcast %parallel_loop3A_265 : f32 to vector<16xf32>
      %parallel_loop3A_267 = arith.cmpf olt, %parallel_loop3A_252, %parallel_loop3A_266 : vector<16xf32>
      %parallel_loop3A_268 = arith.constant 0.000000e+00 : f32
      %parallel_loop3A_269 = vector.broadcast %parallel_loop3A_268 : f32 to vector<16xf32>
      %parallel_loop3A_270 = arith.subf %parallel_loop3A_269, %parallel_loop3A_264 : vector<16xf32>
      %parallel_loop3A_271 = arith.select %parallel_loop3A_267, %parallel_loop3A_270, %parallel_loop3A_264 : vector<16xi1>, vector<16xf32>
      %parallel_loop3A_272 = arith.index_cast %parallel_loop3A_234 : i32 to index
      %parallel_loop3A_273 = tpu.vector_load %arg8[%parallel_loop3A_272] {strides = array<i32>} : memref<2000xf32, #tpu.memory_space<vmem>>, vector<16xf32>,
      tpu.vector_store %arg8[%parallel_loop3A_272], %parallel_loop3A_271 {strides = array<i32>} : memref<2000xf32, #tpu.memory_space<vmem>>, vector<16xf32>,
    } {sc.loop_unroll_factor = 5 : i64, sc.parallel_access}
    %add3A_165 = arith.constant 4000 : i32
    %add3A_166 = arith.addi %mul3A_2, %add3A_165 : i32
    %dma_start3A_167 = tpu.memref_slice %arg4[%add3A_166] : memref<320000xf32, #tpu.memory_space<hbm>> -> memref<2000xf32, #tpu.memory_space<hbm>>
    %dma_start3A_168 = tpu.memref_slice %arg4[%add3A_166] : memref<320000xf32, #tpu.memory_space<hbm>> -> memref<2000xf32, #tpu.memory_space<hbm>>
    tpu.enqueue_dma source(%arg8 : memref<2000xf32, #tpu.memory_space<vmem>>) target(%dma_start3A_168 : memref<2000xf32, #tpu.memory_space<hbm>>) target_semaphore(%arg12 : memref<!tpu.dma_semaphore, #tpu.memory_space<semaphore_mem>>)
    %add3A_169 = arith.constant 8000 : i32
    %add3A_170 = arith.addi %mul3A_2, %add3A_169 : i32
    %jit3A_171 = arith.constant 128 : i32
    %div3A_172 = arith.divsi %add3A_170, %jit3A_171 : i32
    %sign3A_173 = arith.constant 0 : i32
    %sign3A_174 = arith.cmpi sgt, %add3A_170, %sign3A_173 : i32
    %sign3A_175 = arith.extui %sign3A_174 : i1 to i32
    %sign3A_176 = arith.constant 0 : i32
    %sign3A_177 = arith.cmpi slt, %add3A_170, %sign3A_176 : i32
    %sign3A_178 = arith.extui %sign3A_177 : i1 to i32
    %sign3A_179 = arith.subi %sign3A_175, %sign3A_178 : i32
    %sign3A_180 = arith.constant 0 : i32
    %sign3A_181 = arith.cmpi sgt, %jit3A_171, %sign3A_180 : i32
    %sign3A_182 = arith.extui %sign3A_181 : i1 to i32
    %sign3A_183 = arith.constant 0 : i32
    %sign3A_184 = arith.cmpi slt, %jit3A_171, %sign3A_183 : i32
    %sign3A_185 = arith.extui %sign3A_184 : i1 to i32
    %sign3A_186 = arith.subi %sign3A_182, %sign3A_185 : i32
    %ne3A_187 = arith.cmpi ne, %sign3A_179, %sign3A_186 : i32
    %rem3A_188 = arith.remsi %add3A_170, %jit3A_171 : i32
    %ne3A_189 = arith.constant 0 : i32
    %ne3A_190 = arith.cmpi ne, %rem3A_188, %ne3A_189 : i32
    %and3A_191 = arith.andi %ne3A_187, %ne3A_190 : i1
    %sub3A_192 = arith.constant 1 : i32
    %sub3A_193 = arith.subi %div3A_172, %sub3A_192 : i32
    %select_n3A_194 = arith.select %and3A_191, %sub3A_193, %div3A_172 : i32
    %mul3A_195 = arith.constant 128 : i32
    %mul3A_196 = arith.muli %select_n3A_194, %mul3A_195 : i32
    %min3A_197 = arith.constant 317824 : i32
    %min3A_198 = arith.minsi %mul3A_196, %min3A_197 : i32
    %dma_start3A_199 = arith.constant 0 : i32
    %dma_start3A_200 = tpu.memref_slice %arg3[%dma_start3A_199, %min3A_198] : memref<2x320000xi32, #tpu.memory_space<hbm>> -> memref<2x2176xi32, #tpu.memory_space<hbm>>
    %dma_start3A_201 = arith.constant 0 : i32
    %dma_start3A_202 = tpu.memref_slice %arg3[%dma_start3A_201, %min3A_198] : memref<2x320000xi32, #tpu.memory_space<hbm>> -> memref<2x2176xi32, #tpu.memory_space<hbm>>
    tpu.enqueue_dma source(%dma_start3A_202 : memref<2x2176xi32, #tpu.memory_space<hbm>>) target(%arg6 : memref<2x2176xi32, #tpu.memory_space<vmem>>) target_semaphore(%arg11 : memref<!tpu.dma_semaphore, #tpu.memory_space<semaphore_mem>>)
    %sub3A_203 = arith.subi %add3A_170, %min3A_198 : i32
    %dma_wait3A_204 = arith.constant 0 : i32
    %dma_wait3A_205 = tpu.memref_slice %arg3[%dma_wait3A_204, %min3A_150] : memref<2x320000xi32, #tpu.memory_space<hbm>> -> memref<2x2176xi32, #tpu.memory_space<hbm>>
    %dma_wait3A_206 = arith.constant 0 : i32
    %dma_wait3A_207 = tpu.memref_slice %arg3[%dma_wait3A_206, %min3A_150] : memref<2x320000xi32, #tpu.memory_space<hbm>> -> memref<2x2176xi32, #tpu.memory_space<hbm>>
    tpu.wait_dma2 semaphore(%arg11 : memref<!tpu.dma_semaphore, #tpu.memory_space<semaphore_mem>>) src(%dma_wait3A_207 : memref<2x2176xi32, #tpu.memory_space<hbm>>) dst(%arg7 : memref<2x2176xi32, #tpu.memory_space<vmem>>)
    %dma_wait3A_208 = tpu.memref_slice %arg4[%add3A_118] : memref<320000xf32, #tpu.memory_space<hbm>> -> memref<2000xf32, #tpu.memory_space<hbm>>
    %dma_wait3A_209 = tpu.memref_slice %arg4[%add3A_118] : memref<320000xf32, #tpu.memory_space<hbm>> -> memref<2000xf32, #tpu.memory_space<hbm>>
    tpu.wait_dma2 semaphore(%arg12 : memref<!tpu.dma_semaphore, #tpu.memory_space<semaphore_mem>>) src(%arg9 : memref<2000xf32, #tpu.memory_space<vmem>>) dst(%dma_wait3A_209 : memref<2000xf32, #tpu.memory_space<hbm>>)
    %parallel_loop3A_210 = arith.constant 0 : i32
    %parallel_loop3A_211 = arith.constant 2000 : i32
    %parallel_loop3A_212 = arith.constant 16 : i32
    scf.for %parallel_loop3A_234 = %parallel_loop3A_210 to %parallel_loop3A_211 step %parallel_loop3A_212  : i32 {
      %parallel_loop3A_235 = arith.addi %sub3A_155, %parallel_loop3A_234 : i32
      %parallel_loop3A_236 = arith.constant 0 : i32
      %parallel_loop3A_237 = arith.index_cast %parallel_loop3A_236 : i32 to index
      %parallel_loop3A_238 = arith.index_cast %parallel_loop3A_235 : i32 to index
      %parallel_loop3A_239 = tpu.vector_load %arg7[%parallel_loop3A_237, %parallel_loop3A_238] {strides = array<i32>} : memref<2x2176xi32, #tpu.memory_space<vmem>>, vector<16xi32>,
      %parallel_loop3A_240 = tpu.vector_load_idx %arg5[%broadcast_in_dim3A_63, %parallel_loop3A_239] : memref<1x10000xi32, #tpu.memory_space<vmem>>[vector<16xi32>, vector<16xi32>], vector<16xi32>,
      %parallel_loop3A_241 = arith.constant 1 : i32
      %parallel_loop3A_242 = arith.index_cast %parallel_loop3A_241 : i32 to index
      %parallel_loop3A_243 = arith.index_cast %parallel_loop3A_235 : i32 to index
      %parallel_loop3A_244 = tpu.vector_load %arg7[%parallel_loop3A_242, %parallel_loop3A_243] {strides = array<i32>} : memref<2x2176xi32, #tpu.memory_space<vmem>>, vector<16xi32>,
      %parallel_loop3A_245 = tpu.vector_load_idx %arg5[%broadcast_in_dim3A_63, %parallel_loop3A_244] : memref<1x10000xi32, #tpu.memory_space<vmem>>[vector<16xi32>, vector<16xi32>], vector<16xi32>,
      %parallel_loop3A_246 = arith.andi %parallel_loop3A_240, %broadcast_in_dim3A_65 : vector<16xi32>
      %parallel_loop3A_247 = vector.bitcast %parallel_loop3A_246 : vector<16xi32> to vector<16xf32>
      %parallel_loop3A_248 = arith.constant 16 : i32
      %parallel_loop3A_249 = vector.broadcast %parallel_loop3A_248 : i32 to vector<16xi32>
      %parallel_loop3A_250 = arith.shli %parallel_loop3A_245, %parallel_loop3A_249 : vector<16xi32>
      %parallel_loop3A_251 = vector.bitcast %parallel_loop3A_250 : vector<16xi32> to vector<16xf32>
      %parallel_loop3A_252 = arith.addf %parallel_loop3A_247, %parallel_loop3A_251 : vector<16xf32>
      %parallel_loop3A_253 = math.absf %parallel_loop3A_252 : vector<16xf32>
      %parallel_loop3A_254 = arith.constant -2.000000e+00 : f32
      %parallel_loop3A_255 = vector.broadcast %parallel_loop3A_254 : f32 to vector<16xf32>
      %parallel_loop3A_256 = arith.mulf %parallel_loop3A_255, %parallel_loop3A_253 : vector<16xf32>
      %parallel_loop3A_257 = math.exp %parallel_loop3A_256 : vector<16xf32>
      %parallel_loop3A_258 = arith.constant 1.000000e+00 : f32
      %parallel_loop3A_259 = vector.broadcast %parallel_loop3A_258 : f32 to vector<16xf32>
      %parallel_loop3A_260 = arith.subf %parallel_loop3A_259, %parallel_loop3A_257 : vector<16xf32>
      %parallel_loop3A_261 = arith.constant 1.000000e+00 : f32
      %parallel_loop3A_262 = vector.broadcast %parallel_loop3A_261 : f32 to vector<16xf32>
      %parallel_loop3A_263 = arith.addf %parallel_loop3A_262, %parallel_loop3A_257 : vector<16xf32>
      %parallel_loop3A_264 = arith.divf %parallel_loop3A_260, %parallel_loop3A_263 : vector<16xf32>
      %parallel_loop3A_265 = arith.constant 0.000000e+00 : f32
      %parallel_loop3A_266 = vector.broadcast %parallel_loop3A_265 : f32 to vector<16xf32>
      %parallel_loop3A_267 = arith.cmpf olt, %parallel_loop3A_252, %parallel_loop3A_266 : vector<16xf32>
      %parallel_loop3A_268 = arith.constant 0.000000e+00 : f32
      %parallel_loop3A_269 = vector.broadcast %parallel_loop3A_268 : f32 to vector<16xf32>
      %parallel_loop3A_270 = arith.subf %parallel_loop3A_269, %parallel_loop3A_264 : vector<16xf32>
      %parallel_loop3A_271 = arith.select %parallel_loop3A_267, %parallel_loop3A_270, %parallel_loop3A_264 : vector<16xi1>, vector<16xf32>
      %parallel_loop3A_272 = arith.index_cast %parallel_loop3A_234 : i32 to index
      %parallel_loop3A_273 = tpu.vector_load %arg9[%parallel_loop3A_272] {strides = array<i32>} : memref<2000xf32, #tpu.memory_space<vmem>>, vector<16xf32>,
      tpu.vector_store %arg9[%parallel_loop3A_272], %parallel_loop3A_271 {strides = array<i32>} : memref<2000xf32, #tpu.memory_space<vmem>>, vector<16xf32>,
    } {sc.loop_unroll_factor = 5 : i64, sc.parallel_access}
    %add3A_213 = arith.constant 6000 : i32
    %add3A_214 = arith.addi %mul3A_2, %add3A_213 : i32
    %dma_start3A_215 = tpu.memref_slice %arg4[%add3A_214] : memref<320000xf32, #tpu.memory_space<hbm>> -> memref<2000xf32, #tpu.memory_space<hbm>>
    %dma_start3A_216 = tpu.memref_slice %arg4[%add3A_214] : memref<320000xf32, #tpu.memory_space<hbm>> -> memref<2000xf32, #tpu.memory_space<hbm>>
    tpu.enqueue_dma source(%arg9 : memref<2000xf32, #tpu.memory_space<vmem>>) target(%dma_start3A_216 : memref<2000xf32, #tpu.memory_space<hbm>>) target_semaphore(%arg12 : memref<!tpu.dma_semaphore, #tpu.memory_space<semaphore_mem>>)
    %dma_wait3A_217 = arith.constant 0 : i32
    %dma_wait3A_218 = tpu.memref_slice %arg3[%dma_wait3A_217, %min3A_198] : memref<2x320000xi32, #tpu.memory_space<hbm>> -> memref<2x2176xi32, #tpu.memory_space<hbm>>
    %dma_wait3A_219 = arith.constant 0 : i32
    %dma_wait3A_220 = tpu.memref_slice %arg3[%dma_wait3A_219, %min3A_198] : memref<2x320000xi32, #tpu.memory_space<hbm>> -> memref<2x2176xi32, #tpu.memory_space<hbm>>
    tpu.wait_dma2 semaphore(%arg11 : memref<!tpu.dma_semaphore, #tpu.memory_space<semaphore_mem>>) src(%dma_wait3A_220 : memref<2x2176xi32, #tpu.memory_space<hbm>>) dst(%arg6 : memref<2x2176xi32, #tpu.memory_space<vmem>>)
    %dma_wait3A_221 = tpu.memref_slice %arg4[%add3A_166] : memref<320000xf32, #tpu.memory_space<hbm>> -> memref<2000xf32, #tpu.memory_space<hbm>>
    %dma_wait3A_222 = tpu.memref_slice %arg4[%add3A_166] : memref<320000xf32, #tpu.memory_space<hbm>> -> memref<2000xf32, #tpu.memory_space<hbm>>
    tpu.wait_dma2 semaphore(%arg12 : memref<!tpu.dma_semaphore, #tpu.memory_space<semaphore_mem>>) src(%arg8 : memref<2000xf32, #tpu.memory_space<vmem>>) dst(%dma_wait3A_222 : memref<2000xf32, #tpu.memory_space<hbm>>)
    %parallel_loop3A_223 = arith.constant 0 : i32
    %parallel_loop3A_224 = arith.constant 2000 : i32
    %parallel_loop3A_225 = arith.constant 16 : i32
    scf.for %parallel_loop3A_234 = %parallel_loop3A_223 to %parallel_loop3A_224 step %parallel_loop3A_225  : i32 {
      %parallel_loop3A_235 = arith.addi %sub3A_203, %parallel_loop3A_234 : i32
      %parallel_loop3A_236 = arith.constant 0 : i32
      %parallel_loop3A_237 = arith.index_cast %parallel_loop3A_236 : i32 to index
      %parallel_loop3A_238 = arith.index_cast %parallel_loop3A_235 : i32 to index
      %parallel_loop3A_239 = tpu.vector_load %arg6[%parallel_loop3A_237, %parallel_loop3A_238] {strides = array<i32>} : memref<2x2176xi32, #tpu.memory_space<vmem>>, vector<16xi32>,
      %parallel_loop3A_240 = tpu.vector_load_idx %arg5[%broadcast_in_dim3A_63, %parallel_loop3A_239] : memref<1x10000xi32, #tpu.memory_space<vmem>>[vector<16xi32>, vector<16xi32>], vector<16xi32>,
      %parallel_loop3A_241 = arith.constant 1 : i32
      %parallel_loop3A_242 = arith.index_cast %parallel_loop3A_241 : i32 to index
      %parallel_loop3A_243 = arith.index_cast %parallel_loop3A_235 : i32 to index
      %parallel_loop3A_244 = tpu.vector_load %arg6[%parallel_loop3A_242, %parallel_loop3A_243] {strides = array<i32>} : memref<2x2176xi32, #tpu.memory_space<vmem>>, vector<16xi32>,
      %parallel_loop3A_245 = tpu.vector_load_idx %arg5[%broadcast_in_dim3A_63, %parallel_loop3A_244] : memref<1x10000xi32, #tpu.memory_space<vmem>>[vector<16xi32>, vector<16xi32>], vector<16xi32>,
      %parallel_loop3A_246 = arith.andi %parallel_loop3A_240, %broadcast_in_dim3A_65 : vector<16xi32>
      %parallel_loop3A_247 = vector.bitcast %parallel_loop3A_246 : vector<16xi32> to vector<16xf32>
      %parallel_loop3A_248 = arith.constant 16 : i32
      %parallel_loop3A_249 = vector.broadcast %parallel_loop3A_248 : i32 to vector<16xi32>
      %parallel_loop3A_250 = arith.shli %parallel_loop3A_245, %parallel_loop3A_249 : vector<16xi32>
      %parallel_loop3A_251 = vector.bitcast %parallel_loop3A_250 : vector<16xi32> to vector<16xf32>
      %parallel_loop3A_252 = arith.addf %parallel_loop3A_247, %parallel_loop3A_251 : vector<16xf32>
      %parallel_loop3A_253 = math.absf %parallel_loop3A_252 : vector<16xf32>
      %parallel_loop3A_254 = arith.constant -2.000000e+00 : f32
      %parallel_loop3A_255 = vector.broadcast %parallel_loop3A_254 : f32 to vector<16xf32>
      %parallel_loop3A_256 = arith.mulf %parallel_loop3A_255, %parallel_loop3A_253 : vector<16xf32>
      %parallel_loop3A_257 = math.exp %parallel_loop3A_256 : vector<16xf32>
      %parallel_loop3A_258 = arith.constant 1.000000e+00 : f32
      %parallel_loop3A_259 = vector.broadcast %parallel_loop3A_258 : f32 to vector<16xf32>
      %parallel_loop3A_260 = arith.subf %parallel_loop3A_259, %parallel_loop3A_257 : vector<16xf32>
      %parallel_loop3A_261 = arith.constant 1.000000e+00 : f32
      %parallel_loop3A_262 = vector.broadcast %parallel_loop3A_261 : f32 to vector<16xf32>
      %parallel_loop3A_263 = arith.addf %parallel_loop3A_262, %parallel_loop3A_257 : vector<16xf32>
      %parallel_loop3A_264 = arith.divf %parallel_loop3A_260, %parallel_loop3A_263 : vector<16xf32>
      %parallel_loop3A_265 = arith.constant 0.000000e+00 : f32
      %parallel_loop3A_266 = vector.broadcast %parallel_loop3A_265 : f32 to vector<16xf32>
      %parallel_loop3A_267 = arith.cmpf olt, %parallel_loop3A_252, %parallel_loop3A_266 : vector<16xf32>
      %parallel_loop3A_268 = arith.constant 0.000000e+00 : f32
      %parallel_loop3A_269 = vector.broadcast %parallel_loop3A_268 : f32 to vector<16xf32>
      %parallel_loop3A_270 = arith.subf %parallel_loop3A_269, %parallel_loop3A_264 : vector<16xf32>
      %parallel_loop3A_271 = arith.select %parallel_loop3A_267, %parallel_loop3A_270, %parallel_loop3A_264 : vector<16xi1>, vector<16xf32>
      %parallel_loop3A_272 = arith.index_cast %parallel_loop3A_234 : i32 to index
      %parallel_loop3A_273 = tpu.vector_load %arg8[%parallel_loop3A_272] {strides = array<i32>} : memref<2000xf32, #tpu.memory_space<vmem>>, vector<16xf32>,
      tpu.vector_store %arg8[%parallel_loop3A_272], %parallel_loop3A_271 {strides = array<i32>} : memref<2000xf32, #tpu.memory_space<vmem>>, vector<16xf32>,
    } {sc.loop_unroll_factor = 5 : i64, sc.parallel_access}
    %add3A_226 = arith.constant 8000 : i32
    %add3A_227 = arith.addi %mul3A_2, %add3A_226 : i32
    %dma_start3A_228 = tpu.memref_slice %arg4[%add3A_227] : memref<320000xf32, #tpu.memory_space<hbm>> -> memref<2000xf32, #tpu.memory_space<hbm>>
    %dma_start3A_229 = tpu.memref_slice %arg4[%add3A_227] : memref<320000xf32, #tpu.memory_space<hbm>> -> memref<2000xf32, #tpu.memory_space<hbm>>
    tpu.enqueue_dma source(%arg8 : memref<2000xf32, #tpu.memory_space<vmem>>) target(%dma_start3A_229 : memref<2000xf32, #tpu.memory_space<hbm>>) target_semaphore(%arg12 : memref<!tpu.dma_semaphore, #tpu.memory_space<semaphore_mem>>)
    %dma_wait3A_230 = tpu.memref_slice %arg4[%add3A_214] : memref<320000xf32, #tpu.memory_space<hbm>> -> memref<2000xf32, #tpu.memory_space<hbm>>
    %dma_wait3A_231 = tpu.memref_slice %arg4[%add3A_214] : memref<320000xf32, #tpu.memory_space<hbm>> -> memref<2000xf32, #tpu.memory_space<hbm>>
    tpu.wait_dma2 semaphore(%arg12 : memref<!tpu.dma_semaphore, #tpu.memory_space<semaphore_mem>>) src(%arg9 : memref<2000xf32, #tpu.memory_space<vmem>>) dst(%dma_wait3A_231 : memref<2000xf32, #tpu.memory_space<hbm>>)
    %dma_wait3A_232 = tpu.memref_slice %arg4[%add3A_227] : memref<320000xf32, #tpu.memory_space<hbm>> -> memref<2000xf32, #tpu.memory_space<hbm>>
    %dma_wait3A_233 = tpu.memref_slice %arg4[%add3A_227] : memref<320000xf32, #tpu.memory_space<hbm>> -> memref<2000xf32, #tpu.memory_space<hbm>>
    tpu.wait_dma2 semaphore(%arg12 : memref<!tpu.dma_semaphore, #tpu.memory_space<semaphore_mem>>) src(%arg8 : memref<2000xf32, #tpu.memory_space<vmem>>) dst(%dma_wait3A_233 : memref<2000xf32, #tpu.memory_space<hbm>>)
    return
  }
}

module attributes {stable_mosaic.version = 14 : i64} {
  func.func @_tc_body(%arg0: i32, %arg1: memref<5120x128xf32, #tpu.memory_space<vmem>>, %arg2: memref<128x128xf32, #tpu.memory_space<vmem>>, %arg3: memref<1x128xf32, #tpu.memory_space<vmem>>, %arg4: memref<128x128xf32, #tpu.memory_space<vmem>>, %arg5: memref<1x128xf32, #tpu.memory_space<vmem>>, %arg6: memref<2x128xf32, #tpu.memory_space<vmem>>, %arg7: memref<1x5120xi32, #tpu.memory_space<vmem>>) attributes {dimension_semantics = [#tpu.dimension_semantics<arbitrary>], iteration_bounds = array<i64: 2>, scalar_prefetch = 0 : i64, scratch_operands = 0 : i64, tpu.core_type = #tpu.core_type<tc>, window_params = [{transform_indices = @transform_0, window_bounds = array<i64: 5120, 128>}, {pipeline_mode = #tpu.pipeline_mode<synchronous>, transform_indices = @transform_1, window_bounds = array<i64: 128, 128>}, {pipeline_mode = #tpu.pipeline_mode<synchronous>, transform_indices = @transform_2, window_bounds = array<i64: 1, 128>}, {pipeline_mode = #tpu.pipeline_mode<synchronous>, transform_indices = @transform_3, window_bounds = array<i64: 128, 128>}, {pipeline_mode = #tpu.pipeline_mode<synchronous>, transform_indices = @transform_4, window_bounds = array<i64: 1, 128>}, {pipeline_mode = #tpu.pipeline_mode<synchronous>, transform_indices = @transform_5, window_bounds = array<i64: 2, 128>}, {transform_indices = @transform_6, window_bounds = array<i64: 1, 5120>}]} {
    %get3A = arith.constant 0 : index
    %get3A_0 = arith.constant 0 : index
    %get3A_1 = vector.load %arg1[%get3A, %get3A_0] : memref<5120x128xf32, #tpu.memory_space<vmem>>, vector<5120x128xf32>
    %get3A_2 = arith.constant 0 : index
    %get3A_3 = arith.constant 0 : index
    %get3A_4 = vector.load %arg2[%get3A_2, %get3A_3] : memref<128x128xf32, #tpu.memory_space<vmem>>, vector<128x128xf32>
    %dot_general3A = arith.constant dense<0.000000e+00> : vector<5120x128xf32>
    %dot_general3A_5 = tpu.matmul %get3A_1, %get3A_4, %dot_general3A {dimension_numbers = #tpu.dot_dimension_numbers<[1], [1], [0], [0], [0, 0, 1, 0], [], []>, transpose_lhs_hint = false} : vector<5120x128xf32>, vector<128x128xf32>, vector<5120x128xf32> -> vector<5120x128xf32>
    %get3A_6 = arith.constant 0 : index
    %get3A_7 = arith.constant 0 : index
    %get3A_8 = vector.load %arg3[%get3A_6, %get3A_7] : memref<1x128xf32, #tpu.memory_space<vmem>>, vector<1x128xf32>
    %add3A = vector.broadcast %get3A_8 : vector<1x128xf32> to vector<5120x128xf32>
    %add3A_9 = arith.addf %dot_general3A_5, %add3A : vector<5120x128xf32>
    %max3A = arith.constant 0.000000e+00 : f32
    %max3A_10 = vector.broadcast %max3A : f32 to vector<5120x128xf32>
    %max3A_11 = arith.maximumf %add3A_9, %max3A_10 : vector<5120x128xf32>
    %get3A_12 = arith.constant 0 : index
    %get3A_13 = arith.constant 0 : index
    %get3A_14 = vector.load %arg4[%get3A_12, %get3A_13] : memref<128x128xf32, #tpu.memory_space<vmem>>, vector<128x128xf32>
    %dot_general3A_15 = arith.constant dense<0.000000e+00> : vector<5120x128xf32>
    %dot_general3A_16 = tpu.matmul %max3A_11, %get3A_14, %dot_general3A_15 {dimension_numbers = #tpu.dot_dimension_numbers<[1], [1], [0], [0], [0, 0, 1, 0], [], []>, transpose_lhs_hint = false} : vector<5120x128xf32>, vector<128x128xf32>, vector<5120x128xf32> -> vector<5120x128xf32>
    %get3A_17 = arith.constant 0 : index
    %get3A_18 = arith.constant 0 : index
    %get3A_19 = vector.load %arg5[%get3A_17, %get3A_18] : memref<1x128xf32, #tpu.memory_space<vmem>>, vector<1x128xf32>
    %add3A_20 = vector.broadcast %get3A_19 : vector<1x128xf32> to vector<5120x128xf32>
    %add3A_21 = arith.addf %dot_general3A_16, %add3A_20 : vector<5120x128xf32>
    %get3A_22 = arith.constant 0 : index
    %get3A_23 = arith.constant 0 : index
    %get3A_24 = vector.load %arg6[%get3A_22, %get3A_23] : memref<2x128xf32, #tpu.memory_space<vmem>>, vector<2x128xf32>
    %dot_general3A_25 = arith.constant dense<0.000000e+00> : vector<2x5120xf32>
    %dot_general3A_26 = tpu.matmul %get3A_24, %add3A_21, %dot_general3A_25 {dimension_numbers = #tpu.dot_dimension_numbers<[1], [1], [0], [0], [0, 0, 1, 0], [], []>, transpose_lhs_hint = false} : vector<2x128xf32>, vector<5120x128xf32>, vector<2x5120xf32> -> vector<2x5120xf32>
    %bitcast_convert_type3A = tpu.bitcast %dot_general3A_26 : vector<2x5120xf32> -> vector<2x5120xi32>
    %add3A_27 = arith.constant 32767 : i32
    %add3A_28 = vector.broadcast %add3A_27 : i32 to vector<2x5120xi32>
    %add3A_29 = arith.addi %bitcast_convert_type3A, %add3A_28 : vector<2x5120xi32>
    %shift_right_logical3A = arith.constant 16 : i32
    %shift_right_logical3A_30 = vector.broadcast %shift_right_logical3A : i32 to vector<2x5120xi32>
    %shift_right_logical3A_31 = arith.shrui %bitcast_convert_type3A, %shift_right_logical3A_30 : vector<2x5120xi32>
    %and3A = arith.constant 1 : i32
    %and3A_32 = vector.broadcast %and3A : i32 to vector<2x5120xi32>
    %and3A_33 = arith.andi %shift_right_logical3A_31, %and3A_32 : vector<2x5120xi32>
    %add3A_34 = arith.addi %add3A_29, %and3A_33 : vector<2x5120xi32>
    %shift_right_logical3A_35 = arith.constant 16 : i32
    %shift_right_logical3A_36 = vector.broadcast %shift_right_logical3A_35 : i32 to vector<2x5120xi32>
    %shift_right_logical3A_37 = arith.shrui %add3A_34, %shift_right_logical3A_36 : vector<2x5120xi32>
    %slice3A = vector.extract_strided_slice %shift_right_logical3A_37 {offsets = [0, 0], sizes = [1, 5120], strides = [1, 1]} : vector<2x5120xi32> to vector<1x5120xi32>
    %shift_left3A = arith.constant 16 : i32
    %shift_left3A_38 = vector.broadcast %shift_left3A : i32 to vector<1x5120xi32>
    %shift_left3A_39 = arith.shli %slice3A, %shift_left3A_38 : vector<1x5120xi32>
    %slice3A_40 = vector.extract_strided_slice %shift_right_logical3A_37 {offsets = [1, 0], sizes = [1, 5120], strides = [1, 1]} : vector<2x5120xi32> to vector<1x5120xi32>
    %or3A = arith.ori %shift_left3A_39, %slice3A_40 : vector<1x5120xi32>
    %bitcast_convert_type3A_41 = tpu.bitcast %or3A : vector<1x5120xi32> -> vector<1x5120xi32>
    %swap3A = arith.constant 0 : index
    %swap3A_42 = arith.constant 0 : index
    %swap3A_43 = vector.load %arg7[%swap3A, %swap3A_42] : memref<1x5120xi32, #tpu.memory_space<vmem>>, vector<1x5120xi32>
    tpu.vector_store %arg7[%swap3A, %swap3A_42], %bitcast_convert_type3A_41 {strides = array<i32>} : memref<1x5120xi32, #tpu.memory_space<vmem>>, vector<1x5120xi32>,
    return
  }
  func.func @transform_0(%arg0: i32) -> (i32, i32) {
    %c0_i32 = arith.constant 0 : i32
    %c0_i32_0 = arith.constant 0 : i32
    return %arg0, %c0_i32 : i32, i32
  }
  func.func @transform_1(%arg0: i32) -> (i32, i32) {
    %c0_i32 = arith.constant 0 : i32
    %c0_i32_0 = arith.constant 0 : i32
    %c0_i32_1 = arith.constant 0 : i32
    return %c0_i32, %c0_i32_0 : i32, i32
  }
  func.func @transform_2(%arg0: i32) -> (i32, i32) {
    %c0_i32 = arith.constant 0 : i32
    %c0_i32_0 = arith.constant 0 : i32
    %c0_i32_1 = arith.constant 0 : i32
    return %c0_i32, %c0_i32_0 : i32, i32
  }
  func.func @transform_3(%arg0: i32) -> (i32, i32) {
    %c0_i32 = arith.constant 0 : i32
    %c0_i32_0 = arith.constant 0 : i32
    %c0_i32_1 = arith.constant 0 : i32
    return %c0_i32, %c0_i32_0 : i32, i32
  }
  func.func @transform_4(%arg0: i32) -> (i32, i32) {
    %c0_i32 = arith.constant 0 : i32
    %c0_i32_0 = arith.constant 0 : i32
    %c0_i32_1 = arith.constant 0 : i32
    return %c0_i32, %c0_i32_0 : i32, i32
  }
  func.func @transform_5(%arg0: i32) -> (i32, i32) {
    %c0_i32 = arith.constant 0 : i32
    %c0_i32_0 = arith.constant 0 : i32
    %c0_i32_1 = arith.constant 0 : i32
    return %c0_i32, %c0_i32_0 : i32, i32
  }
  func.func @transform_6(%arg0: i32) -> (i32, i32) {
    %c0_i32 = arith.constant 0 : i32
    %c0_i32_0 = arith.constant 0 : i32
    return %c0_i32, %arg0 : i32, i32
  }
}

</mosaic_0001>

<sc_bundles>
// kernel: kernel.4.cloned.1.call-start
scs
__scs_entry_jumppad:
0x0: {  	(pc) =	sbr.rel $0x88, $3  }
0x1: {  	(tag) =	ssettag $0x0;
	lr =	simm.s32 $0x1  }
0x2: {  	[smem:$0x3F9A] =	sst lr;
	_ =	strace $0xD0000000  }
0x3: {  	_ = 	snop  }
0x4: {  	_ = 	snop  }
0x5: {  	_ = 	snop  }
0x6: {  	_ = 	snop  }
0x7: {  	_ = 	snop  }
__scs_overlays_trampoline_lowered:
0x8: {  	[smem:$0x3FA9] =	sst s0  }
0x9: {  	[smem:$0x3FAA] =	sst s1  }
0xa: {  	[smem:$0x3FAB] =	sst s2  }
0xb: {  	[smem:$0x3FAC] =	sst s3  }
0xc: {  	[smem:$0x3FAD] =	sst s4  }
0xd: {  	[smem:$0x3FAE] =	sst s5  }
0xe: {  	[smem:$0x3FAF] =	sst s6  }
0xf: {  	[smem:$0x3FB0] =	sst s7  }
0x10: {  	[smem:$0x3FB1] =	sst s8  }
0x11: {  	[smem:$0x3FB2] =	sst s9;
	s0 =	simm.s32 @!p0 $0x0  }
0x12: {  	s1 =	sld [smem:$0x3F98];
	s0 =	simm.s32 @p0 $0x1  }
0x13: {  	[smem:$0x3FB3] =	sst s0;
	s0 =	simm.s32 @!p1 $0x0  }
0x14: {  	s2 =	sld [smem:$0x3F97];
	s0 =	simm.s32 @p1 $0x1  }
0x15: {  	[smem:$0x3FB4] =	sst s0;
	s0 =	simm.s32 @!p2 $0x0  }
0x16: {  	s3 =	sld [smem:$0x3FDB];
	s0 =	simm.s32 @p2 $0x1  }
0x17: {  	s4 =	simm.s32 $0x1BF5;
	[smem:$0x3FB6] =	sst s0  }
0x18: {  	s0 =	sld [smem:$0x3F99];
	_ =	swait.ge [sflag:s4], $0x0  }
0x19: {  	s7 =	sld [smem:$0x3F9A]  }
0x1a: {  	s8 =	sadd.s32 $0xFFFFE003, lr  }
0x1b: {  	s9 =	sadd.s32 $0xFFFFFEF7, lr;
	s5 =	simm.s32 $0xFFFFFFFF;
	p2 =	slt.u32 s8, $0xFFFFF086  }
0x1c: {  	p1 =	slt.u32 s9, $0xF7A;
	s5 =	simm.s32 @!p2 $0x0  }
0x1d: {  	s5 =	simm.s32 @p1 $0x1;
	p0 =	seq.s32 s7, s2  }
0x1e: {  	s7 =	smul.u32 @!p0 $0xF7A, s2;
	p2 =	seq.s32 @!p0 s5, $0x0  }
0x1f: {  	s9 =	smul.u32 $0xF7A, s1;
	s8 =	simm.s32 @!p0 $0x1BF5;
	p2 =	por !p2, p0  }
0x20: {  	[sflag:s8] =	ssyncset.s32 @!p0 $0xFFFFF086;
	s6 =	sadd.s32 @!p0 s3, s7;
	s7 =	simm.s32 @!p0 $0x108  }
0x21: {  	s3 =	sadd.s32 s3, s9;
	s6 =	sadd.s32 @!p0 $0x88, s6;
	s7 =	simm.s32 @p2 $0x1082  }
0x22: {  	[simem:s7], [sflag:s8] =	dma.local @!p0 [hbm:s6], $0xF7A  }
0x23: {  	s9 =	sor.u32 $0xD0000000, s2;
	s6 =	simm.s32 $0x108;
	_ =	swait.ge @!p0 [sflag:s8], $0x0  }
0x24: {  	s3 =	sadd.s32 $0x88, s3;
	s6 =	simm.s32 @!p1 $0x1082;
	[sflag:s4] =	ssyncset.s32 $0xFFFFF086  }
0x25: {  	[simem:s6], [sflag:s4] =	dma.local [hbm:s3], $0xF7A  }
0x26: {  	[smem:$0x3F9A] =	sst s1;
	(tag) =	ssettag s2;
	_ =	strace s9  }
0x27: {  	s1 =	sld [smem:$0x3FAA]  }
0x28: {  	s2 =	sld [smem:$0x3FAB]  }
0x29: {  	s4 =	sld [smem:$0x3FAD]  }
0x2a: {  	p0 =	seq.s32 s5, $0x0;
	s5 =	sld [smem:$0x3FAE]  }
0x2b: {  	s6 =	sld [smem:$0x3FAF]  }
0x2c: {  	s7 =	sld [smem:$0x3FB0]  }
0x2d: {  	s3 =	simm.s32 $0x108;
	s8 =	sld [smem:$0x3FB1]  }
0x2e: {  	s3 =	simm.s32 @!p0 $0x1082;
	s9 =	sld [smem:$0x3FB2]  }
0x2f: {  	lr =	sadd.s32 s0, s3;
	s0 =	sld [smem:$0x3FA9]  }
0x30: {  	s3 =	sld [smem:$0x3FAC]  }
0x31: {  	[smem:$0x3FB5] =	sst s10  }
0x32: {  	s10 =	sld [smem:$0x3FB3];
	_ =	sdelay $0x3  }
0x33: {  	p0 =	seq.s32 s10, $0x1;
	s10 =	sld [smem:$0x3FB5];
	_ =	sdelay $0x3  }
0x34: {  	[smem:$0x3FB5] =	sst s10  }
0x35: {  	s10 =	sld [smem:$0x3FB4];
	_ =	sdelay $0x3  }
0x36: {  	p1 =	seq.s32 s10, $0x1;
	s10 =	sld [smem:$0x3FB5];
	_ =	sdelay $0x3  }
0x37: {  	[smem:$0x3FB5] =	sst s10  }
0x38: {  	s10 =	sld [smem:$0x3FB6]  }
0x39: {  	_ = 	snop;
	(pc) =	sbr.ind lr, $3  }
0x3a: {  	_ = 	snop  }
0x3b: {  	_ = 	snop  }
0x3c: {  	p2 =	seq.s32 s10, $0x1;
	s10 =	sld [smem:$0x3FB5]  }
0x3d: {  	_ =	shalt  }
0x3e: {  	_ =	shalt  }
0x3f: {  	_ =	shalt  }
0x40: {  	_ =	shalt  }
0x41: {  	_ =	shalt  }
0x42: {  	_ =	shalt  }
0x43: {  	_ =	shalt  }
0x44: {  	_ =	shalt  }
0x45: {  	_ =	shalt  }
0x46: {  	_ =	shalt  }
0x47: {  	_ =	shalt  }
0x48: {  	_ =	shalt  }
0x49: {  	_ =	shalt  }
0x4a: {  	_ =	shalt  }
0x4b: {  	_ =	shalt  }
0x4c: {  	_ =	shalt  }
0x4d: {  	_ =	shalt  }
0x4e: {  	_ =	shalt  }
0x4f: {  	_ =	shalt  }
0x50: {  	_ =	shalt  }
0x51: {  	_ =	shalt  }
0x52: {  	_ =	shalt  }
0x53: {  	_ =	shalt  }
0x54: {  	_ =	shalt  }
0x55: {  	_ =	shalt  }
0x56: {  	_ =	shalt  }
0x57: {  	_ =	shalt  }
0x58: {  	_ =	shalt  }
0x59: {  	_ =	shalt  }
0x5a: {  	_ =	shalt  }
0x5b: {  	_ =	shalt  }
0x5c: {  	_ =	shalt  }
0x5d: {  	_ =	shalt  }
0x5e: {  	_ =	shalt  }
0x5f: {  	_ =	shalt  }
0x60: {  	_ =	shalt  }
0x61: {  	_ =	shalt  }
0x62: {  	_ =	shalt  }
0x63: {  	_ =	shalt  }
0x64: {  	_ =	shalt  }
0x65: {  	_ =	shalt  }
0x66: {  	_ =	shalt  }
0x67: {  	_ =	shalt  }
0x68: {  	_ =	shalt  }
0x69: {  	_ =	shalt  }
0x6a: {  	_ =	shalt  }
0x6b: {  	_ =	shalt  }
0x6c: {  	_ =	shalt  }
0x6d: {  	_ =	shalt  }
0x6e: {  	_ =	shalt  }
0x6f: {  	_ =	shalt  }
0x70: {  	_ =	shalt  }
0x71: {  	_ =	shalt  }
0x72: {  	_ =	shalt  }
0x73: {  	_ =	shalt  }
0x74: {  	_ =	shalt  }
0x75: {  	_ =	shalt  }
0x76: {  	_ =	shalt  }
0x77: {  	_ =	shalt  }
0x78: {  	_ =	shalt  }
0x79: {  	_ =	shalt  }
0x7a: {  	_ =	shalt  }
0x7b: {  	_ =	shalt  }
0x7c: {  	_ =	shalt  }
0x7d: {  	_ =	shalt  }
0x7e: {  	_ =	shalt  }
0x7f: {  	_ =	shalt  }
0x80: {  	_ =	shalt  }
0x81: {  	_ =	shalt  }
0x82: {  	_ =	shalt  }
0x83: {  	_ =	shalt  }
0x84: {  	_ =	shalt  }
0x85: {  	_ =	shalt  }
0x86: {  	_ =	shalt  }
0x87: {  	_ =	shalt  }
.Lfunc_end0:
.L_simem_size_0:
called_computation_lowered:
.L_overlay_start_0:
0x88: {  	s2 =	sld [smem:$0x3FD9]  }
0x89: {  	s3 =	sld [smem:$0x3FFE];
	_ =	sdelay $0x1  }
0x8a: {  	s1 =	srdreg.scid  }
0x8b: {  	s0 =	sand.u32 $0x1, s1  }
0x8c: {  	s17 =	sshll.u32 s0, $0xA;
	s2 =	sadd.s32 s3, s2  }
0x8d: {  	s2 =	sadd.s32 s2, s17  }
0x8e: {  	[smem:$0x3FC1] =	sst s2  }
0x8f: {  	_ = 	snop  }
0x90: {  	s2 =	sld [smem:$0x3FC8]  }
0x91: {  	s18 =	sld [smem:$0x3FD0];
	(tm) =	ssettm $0x1  }
0x92: {  	s4 =	sld [smem:$0x3FFB];
	_ =	sdelay $0x3  }
0x93: {  	_ =	strace s4  }
0x94: {  	s4 =	sld [smem:$0x3FFC];
	_ =	sdelay $0x3  }
0x95: {  	_ =	strace s4  }
0x96: {  	s4 =	sld [smem:$0x3FFD];
	_ =	sdelay $0x3  }
0x97: {  	_ =	strace s4  }
0x98: {  	_ =	strace $0x8FFFFFFF  }
0x99: {  	s19 =	sld [smem:$0x3FDB];
	_ =	sdelay $0x1  }
0x9a: {  	s5 =	simm.s32 $_scs_section_size  }
0x9b: {  	s6 =	simm.s32 $_size__tile_overlayer_lowered;
	s7 =	simm.s32 $_tile_overlayer_lowered  }
0x9c: {  	s22 =	simm.s32 $0x1BFF;
	s21 =	sshll.u32 s7, $0x1;
	s4 =	sadd.s32 s5, s19  }
0x9d: {  	s8 =	simm.s32 $0x0;
	s20 =	sshll.u32 s6, $0x1;
	s6 =	sadd.s32 s21, s4  }
0x9e: {  	[timem:s8], [sflag:s22] =	dma.local [hbm:s6], s20  }
0x9f: {  	_ =	swait.ge [sflag:s22], s20  }
0xa0: {  	s5 =	ssub.s32 $0x0, s20;
	[sflag:s22] =	ssyncset.done $0x0  }
0xa1: {  	[sflag:s22] =	ssyncadd.s32 s5;
	_ =	sdelay $0x1  }
0xa2: {  	s23 =	simm.s32 $0x1B8B  }
0xa3: {  	_ =	swait.ge [sflag:s23], $0x1  }
0xa4: {  	[sflag:s23] =	ssyncset.done $0x0  }
0xa5: {  	s25 =	simm.s32 $0x1B8E;
	s24 =	sld [smem:$0x3FFE];
	[sflag:s23] =	ssyncadd.s32 $0xFFFFFFFF  }
0xa6: {  	s26 =	simm.s32 $execute0_lowered;
	[smem:$0x3FD2] =	sst s25  }
0xa7: {  	s6 =	sshll.u32 s26, $0x1;
	_ =	strace $0x80000046;
	[dreg:$0x1] =	wrdreg $0xFFFFFFFF  }
0xa8: {  	s28 =	simm.s32 $_size_execute0_lowered;
	s4 =	sadd.s32 s4, s6;
	[dreg:$0x0] =	wrdreg $0x0  }
0xa9: {  	s6 =	sshll.u32 s28, $0x1;
	[dreg:$0x2] =	wrdreg s4  }
0xaa: {  	[dreg:$0x3] =	wrdreg s6  }
0xab: {  	[dreg:$0x4] =	wrdreg $0xC0  }
0xac: {  	_ =	task [dreg:s8], $0x5FFFF  }
0xad: {  	[dreg:$0x1] =	wrdreg $0xFFFFFFFF  }
0xae: {  	[dreg:$0x0] =	wrdreg $0x60  }
0xaf: {  	[dreg:$0x2] =	wrdreg s24  }
0xb0: {  	[dreg:$0x3] =	wrdreg s2  }
0xb1: {  	[dreg:$0x4] =	wrdreg s18  }
0xb2: {  	[dreg:$0x5] =	wrdreg $0x9  }
0xb3: {  	_ =	task.clear_ibuf [dreg:s8], $0x6FFFF;
	_ =	strace $0x90000046  }
0xb4: {  	s29 =	simm.s32 $0x9;
	_ =	strace $0x80000048  }
0xb5: {  	_ =	swait.ge [sflag:s29], $0x1  }
0xb6: {  	[sflag:s29] =	ssyncadd.s32 $0xFFFFFFFF  }
0xb7: {  	_ =	strace $0x90000048  }
0xb8: {  	_ =	sfence  }
0xb9: {  	s30 =	sld [smem:$0x0];
	_ =	sdelay $0x2  }
0xba: {  	s31 =	sshll.u32 s1, $0xD;
	s1 =	sshrl.u32 s1, $0x2  }
0xbb: {  	s3 =	sand.u32 $0x4000, s31;
	s1 =	sadd.s32 s1, s30  }
0xbc: {  	s0 =	sor.u32 s3, s0;
	s1 =	sshll.u32 s1, $0x11  }
0xbd: {  	s0 =	sor.u32 s1, s0  }
0xbe: {  	s0 =	sadd.s32 $0x8F2B, s0  }
0xbf: {  	[sflag:s0] =	ssyncadd.remote.s32 $0x1  }
0xc0: {  	_ =	sfence.sel $0xFFFF  }
0xc1: {  	[dreg:$0x0] =	wrdreg $0xFFFFFFFF;
	(pc) =	sbr.abs _section_cstart, $3  }
0xc2: {  	[dreg:$0x1] =	wrdreg $0xFFFFFFFF  }
0xc3: {  	_ =	task.clear_ibuf [dreg:s8], $0x2FFFF;
	_ =	strace $0x9FFFFFFF  }
0xc4: {  	(tm) =	ssettm $0x7FFFFFFF  }
0xc5: {  	_ =	shalt  }
tec
execute0_lowered:
.L_overlay_start_1:
0x0: {  	(tag) =	ssettag $0x1  }
0x1: {  	s1 =	rddreg [dreg:$0x0]  }
0x2: {  	s3 =	rddreg [dreg:$0x1]  }
0x3: {  	s0 =	srdreg.scid;
	s20 =	stileid.u32  }
0x4: {  	s4 =	rddreg [dreg:$0x2];
	s2 =	simm.s32 $0x0;
	s28 =	simm.s32 $0x1  }
0x5: {  	s29 =	simm.s32 $0x2;
	s30 =	simm.s32 $0x4980;
	s13 =	smul.u32 $0x4E20, s20  }
0x6: {  	s0 =	sand.u32 $0x1, s0;
	s5 =	sshll.u32 s20, $0x1;
	s21 =	smul.u32 $0x9C40, s20  }
0x7: {  	[smem:$0x7FF] =	sst s2;
	s1 =	sadd.s32 $0x1200, s1;
	s14 =	smul.u32 $0x2710, s0  }
0x8: {  	s5 =	sor.u32 s0, s5;
	s6 =	ssub.s32 $0x2, s0;
	s0 =	smul.u32 $0x4E20, s0  }
0x9: {  	_ =	strace $0x80000047;
	s5 =	smul.u32 $0x2710, s5;
	s23 =	sshrl.u32 s6, $0x1  }
0xa: {  	[dreg:$0x4] =	wrdreg s1;
	s1 =	ssub.s32 s6, s23;
	s0 =	sadd.s32 s0, s21  }
0xb: {  	s24 =	sshrl.u32 s5, $0x2;
	s8 =	sadd.s32 $0x7D0, s5;
	s10 =	sadd.s32 $0xFA0, s5  }
0xc: {  	s31 =	sshrl.u32 s5, $0x3;
	s12 =	sadd.s32 $0x1770, s5;
	s5 =	sadd.s32 $0x1F40, s5  }
0xd: {  	s6 =	sand.u32 $0x1FFE0, s24;
	s7 =	sshrl.u32 s8, $0x2;
	s26 =	sshrl.u32 s10, $0x2  }
0xe: {  	s8 =	sshrl.u32 s8, $0x3;
	s9 =	sshrl.u32 s12, $0x2;
	s11 =	sand.u32 $0xFFF80, s5  }
0xf: {  	s10 =	sshrl.u32 s10, $0x3;
	s12 =	sshrl.u32 s12, $0x3;
	s6 =	sadd.s32 s3, s6  }
0x10: {  	s5 =	sshrl.u32 s5, $0x3;
	s8 =	sadd.s32 s4, s8;
	[dreg:$0x5] =	wrdreg s6  }
0x11: {  	s25 =	sand.u32 $0x3FFE0, s7;
	s10 =	sadd.s32 s4, s10;
	[dreg:$0x9] =	wrdreg s8  }
0x12: {  	s7 =	sand.u32 $0x3FFE0, s26;
	s6 =	sadd.s32 s3, s25;
	[dreg:$0xb] =	wrdreg s10  }
0x13: {  	s9 =	sand.u32 $0x3FFE0, s9;
	s7 =	sadd.s32 s3, s7;
	[dreg:$0x6] =	wrdreg s6  }
0x14: {  	s11 =	smin.u32 s11, $0x4D980;
	s9 =	sadd.s32 s3, s9;
	[dreg:$0x8] =	wrdreg s7  }
0x15: {  	s11 =	sshrl.u32 s11, $0x2;
	s6 =	sadd.s32 s4, s31;
	[dreg:$0xa] =	wrdreg s9  }
0x16: {  	s12 =	sadd.s32 s4, s12;
	s3 =	sadd.s32 s3, s11;
	[dreg:$0x7] =	wrdreg s6  }
0x17: {  	s11 =	sadd.s32 s14, s13;
	s13 =	sadd.s32 s4, s5;
	[dreg:$0xc] =	wrdreg s3  }
0x18: {  	s14 =	sshrl.u32 s11, $0x4;
	s17 =	sadd.s32 $0x7D0, s11;
	s18 =	sadd.s32 $0xFA0, s11  }
0x19: {  	s22 =	sadd.s32 $0x1770, s11;
	s24 =	sadd.s32 $0x1F40, s11;
	s16 =	sand.u32 $0x7, s14  }
0x1a: {  	s14 =	smax.u32 s1, $0x1;
	s1 =	sshrl.u32 s17, $0x4;
	s19 =	sshrl.u32 s18, $0x4  }
0x1b: {  	s23 =	sshrl.u32 s22, $0x4;
	s5 =	sand.u32 $0x1FFF80, s24;
	s15 =	sshll.u32 s16, $0x4  }
0x1c: {  	s4 =	sshll.u32 s16, $0x5;
	s1 =	sand.u32 $0x7, s1;
	s26 =	smin.u32 s5, $0x4D980  }
0x1d: {  	s16 =	sadd.s32 $0x80, s4;
	s17 =	sshll.u32 s1, $0x4;
	s1 =	sshll.u32 s1, $0x5  }
0x1e: {  	s4 =	sand.u32 $0x7, s19;
	s31 =	sshll.u32 s26, $0x1;
	s18 =	sadd.s32 $0x80, s1  }
0x1f: {  	s19 =	sshll.u32 s4, $0x4;
	s4 =	sshll.u32 s4, $0x5;
	s24 =	ssub.s32 s0, s31  }
0x20: {  	s1 =	simm.s32 $0x3;
	s20 =	sadd.s32 $0x80, s4;
	s4 =	sand.u32 $0x7, s23  }
0x21: {  	s0 =	simm.s32 $0x0;
	s23 =	ssub.s32 s11, s26;
	s25 =	sshll.u32 s4, $0x5  }
0x22: {  	s21 =	sshll.u32 s4, $0x4;
	s22 =	sadd.s32 $0x80, s25;
	s25 =	simm.s32 $0x2780  }
.LBB2_1:
0x23: {  	s3 =	rddreg [dreg:$0x4]  }
0x24: {  	[tilespmem:s2], [sflag:$0x1] =	stream.linear.gather [hbm4b:s3+s2], $0x2780, $0x38;
	[tilespmem:$0x5980] =	vst v63  }
0x25: {  	s8 =	rddreg [dreg:$0x5]  }
0x26: {  	[tilespmem:s25], [sflag:$0x2] =	stream.linear.gather [hbm4b:s8+s2], $0x1100, $0x38;
	[tilespmem:$0x5980] =	vst v63  }
0x27: {  	s9 =	rddreg [dreg:$0x6];
	s4 =	simm.s32 $0x3880  }
0x28: {  	[tilespmem:s4], [sflag:$0x2] =	stream.linear.gather [hbm4b:s9+s2], $0x1100, $0x38;
	[tilespmem:$0x5980] =	vst v63  }
0x29: {  	_ =	swait.ge [sflag:s28], $0x2780  }
0x2a: {  	[sflag:s28] =	ssyncset.done $0x0  }
0x2b: {  	s3 =	sadd.s32 $0xFFFFFFB0, s15;
	[sflag:s28] =	ssyncadd.s32 $0xFFFFD880  }
0x2c: {  	s10 =	sadd.s32 $0x90, s3;
	_ =	swait.ge [sflag:s29], $0x1100  }
0x2d: {  	s5 =	sand.u32 $0xFFFFFF00, s16;
	s4 =	sand.u32 $0x70, s10;
	[sflag:s29] =	ssyncset.done $0x0  }
0x2e: {  	s4 =	sor.u32 s4, s5;
	[sflag:s29] =	ssyncadd.s32 $0xFFFFEF00  }
0x2f: {  	v0 =	vld [tilespmem:s4+$0x2780]  }
0x30: {  	s26 =	sadd.s32 $0xFFFFFF80, s16;
	s11 =	sadd.s32 $0x50, s3;
	v1 =	vld [tilespmem:s4+$0x2800]  }
0x31: {  	s5 =	sand.u32 $0xFFFFFF00, s26;
	s4 =	sand.u32 $0x70, s11  }
0x32: {  	s6 =	sadd.s32 $0xFFFFFFA0, s16;
	s31 =	sadd.s32 $0x60, s3;
	s4 =	sor.u32 s4, s5  }
0x33: {  	s6 =	sand.u32 $0xFFFFFF00, s6;
	s5 =	sand.u32 $0x70, s31;
	v2 =	vld [tilespmem:s4+$0x2780]  }
0x34: {  	v3 =	vld [tilespmem:s4+$0x2800];
	s4 =	sor.u32 s5, s6  }
0x35: {  	v4 =	vld [tilespmem:s4+$0x2780]  }
0x36: {  	s7 =	sadd.s32 $0xFFFFFFC0, s16;
	s8 =	sadd.s32 $0x70, s3;
	v5 =	vld [tilespmem:s4+$0x2800]  }
0x37: {  	s9 =	sand.u32 $0x70, s8;
	s10 =	sand.u32 $0xFFFFFF00, s7;
	v0 =	vld.idx.msk [tilespmem:v0+s2+$0x0], $0xffff  }
0x38: {  	s3 =	sadd.s32 $0x80, s3;
	s11 =	sadd.s32 $0xFFFFFFE0, s16;
	s5 =	sor.u32 s9, s10;
	v1 =	vld.idx.msk [tilespmem:v1+s2+$0x0], $0xffff  }
0x39: {  	s3 =	sand.u32 $0x70, s3;
	s26 =	sand.u32 $0xFFFFFF00, s11;
	v6 =	vld [tilespmem:s5+$0x2780]  }
0x3a: {  	s3 =	sor.u32 s3, s26;
	v7 =	vld [tilespmem:s5+$0x2800]  }
0x3b: {  	v8 =	vld [tilespmem:s3+$0x2780]  }
0x3c: {  	v9 =	vld [tilespmem:s3+$0x2800]  }
0x3d: {  	v4 =	vld.idx.msk [tilespmem:v4+s2+$0x0], $0xffff;
	v0 =	vand.u32 $0xFFFF0000, v0;
	v1 =	vshll.u32 v1, $0x10  }
0x3e: {  	v1 =	vadd.f32 v1, v0;
	v0 =	vld.idx.msk [tilespmem:v2+s2+$0x0], $0xffff  }
0x3f: {  	v2 =	vld.idx.msk [tilespmem:v3+s2+$0x0], $0xffff  }
0x40: {  	v5 =	vld.idx.msk [tilespmem:v5+s2+$0x0], $0xffff  }
0x41: {  	v3 =	vand.u32 $0x7FFFFFFF, v1  }
0x42: {  	s31 =	sadd.s32 $0x0, s15;
	v6 =	vld.idx.msk [tilespmem:v6+s2+$0x0], $0xffff;
	v3 =	vmul.f32 $-2.000000000e+00, v3  }
0x43: {  	s6 =	sadd.s32 $0x90, s31;
	s3 =	sadd.s32 $0xA0, s16;
	v7 =	vld.idx.msk [tilespmem:v7+s2+$0x0], $0xffff  }
0x44: {  	s5 =	sand.u32 $0x70, s6;
	s7 =	sand.u32 $0xFFFFFF00, s3;
	v8 =	vld.idx.msk [tilespmem:v8+s2+$0x0], $0xffff;
	v3 =	vmul.f32 $1.442695020e+00, v3;
	v0 =	vand.u32 $0xFFFF0000, v0;
	v2 =	vshll.u32 v2, $0x10  }
0x45: {  	s5 =	sor.u32 s5, s7;
	v9 =	vld.idx.msk [tilespmem:v9+s2+$0x0], $0xffff;
	v5 =	vshll.u32 v5, $0x10;
	v0 =	vadd.f32 v2, v0;
	v2 =	vand.u32 $0xFFFF0000, v4  }
0x46: {  	s8 =	sadd.s32 $0x50, s31;
	s9 =	sadd.s32 $0xFFFFFF80, s3;
	v4 =	vld [tilespmem:s5+$0x2800];
	(erf) = vpow2.f32 v3;
	v2 =	vadd.f32 v5, v2  }
0x47: {  	s6 =	sand.u32 $0xFFFFFF00, s9;
	v6 =	vand.u32 $0xFFFF0000, v6;
	v3 =	vld [tilespmem:s5+$0x2780];
	s5 =	sand.u32 $0x70, s8  }
0x48: {  	v7 =	vshll.u32 v7, $0x10;
	v5 =	vand.u32 $0x7FFFFFFF, v0;
	s5 =	sor.u32 s5, s6;
	v10 =	vand.u32 $0x7FFFFFFF, v2  }
0x49: {  	s11 =	sadd.s32 $0xFFFFFFA0, s3;
	v6 =	vadd.f32 v7, v6;
	s8 =	sadd.s32 $0x60, s31;
	v5 =	vmul.f32 $-2.000000000e+00, v5;
	v7 =	vmul.f32 $-2.000000000e+00, v10;
	v10 =	vld [tilespmem:s5+$0x2780]  }
0x4a: {  	s7 =	sand.u32 $0xFFFFFF00, s11;
	s8 =	sand.u32 $0x70, s8  }
0x4b: {  	v12 =	vld [tilespmem:s5+$0x2800];
	s7 =	sor.u32 s8, s7;
	v5 =	vmul.f32 $1.442695020e+00, v5  }
0x4c: {  	v8 =	vand.u32 $0xFFFF0000, v8;
	v9 =	vshll.u32 v9, $0x10;
	v13 =	vld [tilespmem:s7+$0x2780]  }
0x4d: {  	s10 =	sadd.s32 $0x70, s31;
	s4 =	sadd.s32 $0x80, s31;
	v8 =	vadd.f32 v9, v8;
	s31 =	sadd.s32 $0xFFFFFFE0, s3;
	v14 =	vld [tilespmem:s7+$0x2800];
	v7 =	vmul.f32 $1.442695020e+00, v7;
	(erf) = vpow2.f32 v5  }
0x4e: {  	s4 =	sand.u32 $0x70, s4;
	v11 =	vand.u32 $0x7FFFFFFF, v6;
	s7 =	sand.u32 $0xFFFFFF00, s31;
	v4 =	vld.idx.msk [tilespmem:v4+s2+$0x0], $0xffff  }
0x4f: {  	s26 =	sadd.s32 $0xFFFFFFC0, s3;
	v9 =	vmul.f32 $-2.000000000e+00, v11;
	s4 =	sor.u32 s4, s7;
	(erf) = vpow2.f32 v7;
	v7 =	vand.u32 $0x7FFFFFFF, v8;
	v3 =	vld.idx.msk [tilespmem:v3+s2+$0x0], $0xffff;
	v5 =	vpop (erf)  }
0x50: {  	s6 =	sand.u32 $0x70, s10;
	s5 =	sand.u32 $0xFFFFFF00, s26;
	v15 =	vld [tilespmem:s4+$0x2780];
	v7 =	vmul.f32 $-2.000000000e+00, v7;
	v11 =	vadd.f32 $1.000000000e+00, v5  }
0x51: {  	v9 =	vmul.f32 $1.442695020e+00, v9;
	vm1 =	vlt.f32 v2, $0.0e+00;
	s5 =	sor.u32 s6, s5;
	v2 =	vld.idx.msk [tilespmem:v10+s2+$0x0], $0xffff  }
0x52: {  	v7 =	vmul.f32 $1.442695020e+00, v7;
	(erf) = vrcp.f32 v11;
	v11 =	vld [tilespmem:s5+$0x2780]  }
0x53: {  	vm3 =	vlt.f32 v6, $0.0e+00;
	vm0 =	vlt.f32 v0, $0.0e+00;
	(erf) = vpow2.f32 v9;
	v9 =	vld [tilespmem:s5+$0x2800]  }
0x54: {  	v6 =	vld.idx.msk [tilespmem:v13+s2+$0x0], $0xffff;
	v0 =	vand.u32 $0xFFFF0000, v3;
	v3 =	vshll.u32 v4, $0x10;
	(erf) = vpow2.f32 v7  }
0x55: {  	v0 =	vadd.f32 v3, v0;
	v3 =	vld.idx.msk [tilespmem:v12+s2+$0x0], $0xffff  }
0x56: {  	vm4 =	vlt.f32 v8, $0.0e+00;
	vm3 =	vmmov vm3;
	vm2 =	vmmov vm0;
	v7 =	vld [tilespmem:s4+$0x2800];
	v4 =	vpop (erf)  }
0x57: {  	vm0 =	vmmov vm4;
	v13 =	vld.idx.msk [tilespmem:v14+s2+$0x0], $0xffff;
	v10 =	vsub.f32 $1.000000000e+00, v4;
	v4 =	vadd.f32 $1.000000000e+00, v4  }
0x58: {  	vm4 =	vlt.f32 v1, $0.0e+00;
	v5 =	vsub.f32 $1.000000000e+00, v5;
	s4 =	sadd.s32 $0x50, s15;
	v8 =	vand.u32 $0x7FFFFFFF, v0;
	v12 =	vpop (erf)  }
0x59: {  	s3 =	sadd.s32 $0xA0, s3;
	v15 =	vld.idx.msk [tilespmem:v15+s2+$0x0], $0xffff;
	s8 =	sadd.s32 $0x90, s4;
	v8 =	vmul.f32 $-2.000000000e+00, v8;
	v14 =	vsub.f32 $1.000000000e+00, v12;
	v12 =	vadd.f32 $1.000000000e+00, v12  }
0x5a: {  	s9 =	sand.u32 $0xFFFFFF00, s3;
	s5 =	sand.u32 $0x70, s8;
	v2 =	vand.u32 $0xFFFF0000, v2;
	(erf) = vrcp.f32 v4;
	v3 =	vshll.u32 v3, $0x10;
	v11 =	vld.idx.msk [tilespmem:v11+s2+$0x0], $0xffff  }
0x5b: {  	s5 =	sor.u32 s5, s9;
	v8 =	vmul.f32 $1.442695020e+00, v8;
	v2 =	vadd.f32 v3, v2;
	v3 =	vand.u32 $0xFFFF0000, v6;
	v4 =	vpop (erf);
	v9 =	vld.idx.msk [tilespmem:v9+s2+$0x0], $0xffff  }
0x5c: {  	v1 =	vld [tilespmem:s5+$0x2800];
	v6 =	vshll.u32 v13, $0x10;
	(erf) = vrcp.f32 v12;
	v4 =	vmul.f32 v4, v5;
	v5 =	vpop (erf)  }
0x5d: {  	v17 =	vld [tilespmem:s5+$0x2780];
	v3 =	vadd.f32 v6, v3;
	(erf) = vpow2.f32 v8;
	v16 =	vadd.f32 $1.000000000e+00, v5;
	v12 =	vpop (erf)  }
0x5e: {  	vm1 =	vmmov vm1;
	v7 =	vld.idx.msk [tilespmem:v7+s2+$0x0], $0xffff;
	v8 =	vsub.f32 $0.0e+00, v4;
	v13 =	vadd.f32 $1.000000000e+00, v12  }
0x5f: {  	v6 =	vand.u32 $0xFFFF0000, v11;
	(erf) = vrcp.f32 v16;
	v11 =	vand.u32 $0x7FFFFFFF, v3  }
0x60: {  	s11 =	sadd.s32 $0xFFFFFF80, s3;
	s10 =	sadd.s32 $0x50, s4;
	v8 =	vsel vm4, v8, v4;
	v4 =	vand.u32 $0x7FFFFFFF, v2;
	v9 =	vshll.u32 v9, $0x10  }
0x61: {  	s6 =	sand.u32 $0xFFFFFF00, s11;
	s5 =	sand.u32 $0x70, s10;
	v11 =	vmul.f32 $-2.000000000e+00, v11;
	v4 =	vmul.f32 $-2.000000000e+00, v4;
	v9 =	vadd.f32 v9, v6  }
0x62: {  	s5 =	sor.u32 s5, s6;
	vm6 =	vlt.f32 v2, $0.0e+00;
	(erf) = vrcp.f32 v13;
	v6 =	vand.u32 $0xFFFF0000, v15  }
0x63: {  	v16 =	vld [tilespmem:s5+$0x2780];
	v7 =	vshll.u32 v7, $0x10;
	v4 =	vmul.f32 $1.442695020e+00, v4;
	v18 =	vand.u32 $0x7FFFFFFF, v9  }
0x64: {  	s31 =	sadd.s32 $0xFFFFFFA0, s3;
	s26 =	sadd.s32 $0x60, s4;
	v5 =	vsub.f32 $1.000000000e+00, v5;
	v1 =	vld.idx.msk [tilespmem:v1+s2+$0x0], $0xffff;
	v15 =	vpop (erf);
	v19 =	vadd.f32 v7, v6;
	v7 =	vmul.f32 $-2.000000000e+00, v18  }
0x65: {  	s7 =	sand.u32 $0xFFFFFF00, s31;
	s6 =	sand.u32 $0x70, s26;
	vm7 =	vlt.f32 v3, $0.0e+00;
	v13 =	vld [tilespmem:s5+$0x2800];
	v6 =	vmul.f32 $1.442695020e+00, v11;
	v11 =	vpop (erf);
	(erf) = vpow2.f32 v4  }
0x66: {  	s8 =	sadd.s32 $0x70, s4;
	s9 =	sadd.s32 $0xFFFFFFC0, s3;
	v12 =	vsub.f32 $1.000000000e+00, v12;
	v17 =	vld.idx.msk [tilespmem:v17+s2+$0x0], $0xffff;
	s5 =	sor.u32 s6, s7;
	v18 =	vand.u32 $0x7FFFFFFF, v19;
	v20 =	vpop (erf);
	v4 =	vmul.f32 $1.442695020e+00, v7  }
0x67: {  	s10 =	sand.u32 $0x70, s8;
	s11 =	sand.u32 $0xFFFFFF00, s9;
	v2 =	vld [tilespmem:s5+$0x2780];
	v7 =	vmul.f32 $-2.000000000e+00, v18;
	v18 =	vadd.f32 $1.000000000e+00, v20;
	(erf) = vpow2.f32 v6  }
0x68: {  	s4 =	sadd.s32 $0x80, s4;
	s26 =	sadd.s32 $0xFFFFFFE0, s3;
	s6 =	sor.u32 s10, s11;
	v10 =	vmul.f32 v15, v10;
	v15 =	vld [tilespmem:s5+$0x2800];
	vm5 =	vlt.f32 v9, $0.0e+00;
	v14 =	vmul.f32 v11, v14  }
0x69: {  	s4 =	sand.u32 $0x70, s4;
	s31 =	sand.u32 $0xFFFFFF00, s26;
	v1 =	vshll.u32 v1, $0x10;
	v6 =	vld [tilespmem:s6+$0x2800];
	v3 =	vmul.f32 $1.442695020e+00, v7;
	(erf) = vrcp.f32 v18;
	v11 =	vpop (erf)  }
0x6a: {  	s5 =	sor.u32 s4, s31;
	v7 =	vld [tilespmem:s6+$0x2780];
	(erf) = vpow2.f32 v4;
	v4 =	vsub.f32 $0.0e+00, v10;
	v9 =	vmul.f32 v11, v5  }
0x6b: {  	s4 =	simm.s32 $0x49A0;
	v5 =	vld [tilespmem:s5+$0x2780];
	v11 =	vand.u32 $0xFFFF0000, v17;
	(erf) = vpow2.f32 v3;
	v3 =	vsub.f32 $0.0e+00, v14  }
0x6c: {  	[tilespmem:s4+$0x20] =	vst v8;
	v1 =	vadd.f32 v1, v11;
	v18 =	vpop (erf);
	v11 =	vld.idx.msk [tilespmem:v16+s2+$0x0], $0xffff;
	v10 =	vsel vm2, v4, v10;
	v17 =	vsub.f32 $0.0e+00, v9  }
0x6d: {  	vm4 =	vlt.f32 v19, $0.0e+00;
	v4 =	vld [tilespmem:s5+$0x2800];
	v8 =	vsel vm1, v3, v14;
	v3 =	vmul.f32 v18, v12;
	[tilespmem:s4+$0xFFFFFFE0] =	vst v10  }
0x6e: {  	vm2 =	vmmov vm6;
	v10 =	vld.idx.msk [tilespmem:v13+s2+$0x0], $0xffff;
	vm1 =	vmmov vm7;
	v9 =	vsel vm3, v17, v9;
	[tilespmem:s4+$0xFFFFFFF0] =	vst v8;
	v12 =	vpop (erf)  }
0x6f: {  	v13 =	vand.u32 $0x7FFFFFFF, v1;
	v8 =	vld.idx.msk [tilespmem:v2+s2+$0x0], $0xffff;
	[tilespmem:s4+$0x0] =	vst v9;
	v9 =	vsub.f32 $0.0e+00, v3;
	v16 =	vadd.f32 $1.000000000e+00, v12  }
0x70: {  	s5 =	simm.s32 $0xA0;
	v2 =	vsub.f32 $1.000000000e+00, v12;
	v12 =	vld.idx.msk [tilespmem:v15+s2+$0x0], $0xffff;
	v15 =	vmul.f32 $-2.000000000e+00, v13;
	v13 =	vsub.f32 $1.000000000e+00, v20;
	v14 =	vpop (erf)  }
.LBB2_2:
0x71: {  	v17 =	vsub.f32 $1.000000000e+00, v14;
	v18 =	vadd.f32 $1.000000000e+00, v14;
	(erf) = vrcp.f32 v16  }
0x72: {  	s6 =	sadd.s32 s5, s15;
	v7 =	vld.idx.msk [tilespmem:v7+s2+$0x0], $0xffff;
	v16 =	vpop (erf);
	vm3 =	vmmov vm5;
	vm5 =	vmmov vm0;
	vm0 =	vmmov vm4  }
0x73: {  	s5 =	sadd.s32 $0x50, s5;
	s3 =	sadd.s32 $0xA0, s3;
	s7 =	sadd.s32 $0x90, s6;
	v6 =	vld.idx.msk [tilespmem:v6+s2+$0x0], $0xffff;
	v15 =	vmul.f32 $1.442695020e+00, v15;
	v13 =	vmul.f32 v16, v13;
	v16 =	vpop (erf);
	v3 =	vsel vm5, v9, v3  }
0x74: {  	s8 =	sand.u32 $0xFFFFFF00, s3;
	p0 =	slt.u32 s5, $0x780;
	v9 =	vand.u32 $0xFFFF0000, v11;
	s7 =	sand.u32 $0x70, s7;
	v5 =	vld.idx.msk [tilespmem:v5+s2+$0x0], $0xffff;
	v11 =	vadd.f32 $1.000000000e+00, v16;
	(erf) = vrcp.f32 v18;
	v14 =	vpop (erf);
	[tilespmem:s4+$0x10] =	vst v3  }
0x75: {  	s26 =	sadd.s32 $0x50, s6;
	s9 =	sadd.s32 $0x60, s6;
	v3 =	vshll.u32 v10, $0x10;
	s7 =	sor.u32 s7, s8;
	v4 =	vld.idx.msk [tilespmem:v4+s2+$0x0], $0xffff;
	(erf) = vpow2.f32 v15;
	v10 =	vsub.f32 $0.0e+00, v13  }
0x76: {  	vm4 =	vlt.f32 v0, $0.0e+00;
	v0 =	vmovc v1;
	s31 =	sadd.s32 $0x70, s6;
	s6 =	sadd.s32 $0x80, s6;
	s8 =	sadd.s32 $0xFFFFFF80, s3;
	v3 =	vadd.f32 v3, v9;
	v8 =	vand.u32 $0xFFFF0000, v8;
	v15 =	vld [tilespmem:s7+$0x2780]  }
0x77: {  	s10 =	sadd.s32 $0xFFFFFFA0, s3;
	s11 =	sadd.s32 $0xFFFFFFC0, s3;
	s4 =	sadd.s32 $0x50, s4;
	v9 =	vshll.u32 v12, $0x10;
	v12 =	vadd.f32 $1.000000000e+00, v14;
	v1 =	vld [tilespmem:s7+$0x2800];
	v10 =	vsel vm4, v10, v13  }
0x78: {  	s9 =	sand.u32 $0x70, s9;
	s7 =	sand.u32 $0x70, s26;
	s26 =	sadd.s32 $0xFFFFFFE0, s3;
	v13 =	vand.u32 $0x7FFFFFFF, v3;
	v8 =	vadd.f32 v9, v8;
	v7 =	vand.u32 $0xFFFF0000, v7;
	[tilespmem:s4+$0x20] =	vst v10  }
0x79: {  	s31 =	sand.u32 $0x70, s31;
	s6 =	sand.u32 $0x70, s6;
	s8 =	sand.u32 $0xFFFFFF00, s8;
	v13 =	vmul.f32 $-2.000000000e+00, v13;
	v6 =	vshll.u32 v6, $0x10;
	(erf) = vrcp.f32 v11  }
0x7a: {  	s10 =	sand.u32 $0xFFFFFF00, s10;
	s11 =	sand.u32 $0xFFFFFF00, s11;
	s26 =	sand.u32 $0xFFFFFF00, s26;
	v10 =	vand.u32 $0x7FFFFFFF, v8;
	v11 =	vadd.f32 v6, v7;
	v5 =	vand.u32 $0xFFFF0000, v5  }
0x7b: {  	s7 =	sor.u32 s7, s8;
	s8 =	sor.u32 s9, s10;
	s9 =	sor.u32 s31, s11;
	v6 =	vmul.f32 $1.442695020e+00, v13;
	v7 =	vmul.f32 $-2.000000000e+00, v10;
	v4 =	vshll.u32 v4, $0x10;
	v9 =	vpop (erf)  }
0x7c: {  	s6 =	sor.u32 s6, s26;
	v13 =	vand.u32 $0x7FFFFFFF, v11;
	v4 =	vadd.f32 v4, v5;
	v10 =	vld [tilespmem:s7+$0x2780];
	(erf) = vrcp.f32 v12  }
0x7d: {  	v5 =	vmul.f32 $1.442695020e+00, v7;
	v7 =	vmul.f32 $-2.000000000e+00, v13;
	v13 =	vsub.f32 $1.000000000e+00, v16;
	v12 =	vld [tilespmem:s7+$0x2800];
	v16 =	vpop (erf)  }
0x7e: {  	v14 =	vsub.f32 $1.000000000e+00, v14;
	v18 =	vand.u32 $0x7FFFFFFF, v4;
	v15 =	vld.idx.msk [tilespmem:v15+s2+$0x0], $0xffff;
	(erf) = vpow2.f32 v6;
	v19 =	vpop (erf)  }
0x7f: {  	v6 =	vmul.f32 $1.442695020e+00, v7;
	v7 =	vmul.f32 $-2.000000000e+00, v18;
	v1 =	vld.idx.msk [tilespmem:v1+s2+$0x0], $0xffff;
	v18 =	vadd.f32 $1.000000000e+00, v19  }
0x80: {  	vm6 =	vlt.f32 v3, $0.0e+00;
	v2 =	vmul.f32 v9, v2;
	v20 =	vld [tilespmem:s8+$0x2780];
	(erf) = vpow2.f32 v5  }
0x81: {  	vm7 =	vlt.f32 v8, $0.0e+00;
	v3 =	vmul.f32 $1.442695020e+00, v7;
	v9 =	vld [tilespmem:s8+$0x2800];
	(erf) = vrcp.f32 v18  }
0x82: {  	v8 =	vsub.f32 $0.0e+00, v2;
	v16 =	vmul.f32 v16, v17;
	v7 =	vld [tilespmem:s9+$0x2780];
	(erf) = vpow2.f32 v6;
	v5 =	vpop (erf)  }
0x83: {  	vm5 =	vlt.f32 v11, $0.0e+00;
	v6 =	vld [tilespmem:s9+$0x2800];
	(erf) = vpow2.f32 v3;
	v13 =	vmul.f32 v5, v13  }
0x84: {  	vm4 =	vlt.f32 v4, $0.0e+00;
	v2 =	vsel vm2, v8, v2;
	v3 =	vsub.f32 $0.0e+00, v16;
	v5 =	vld [tilespmem:s6+$0x2780]  }
.Ltmp0:
0x85: {  	v8 =	vand.u32 $0xFFFF0000, v15;
	v1 =	vshll.u32 v1, $0x10;
	v4 =	vld [tilespmem:s6+$0x2800];
	[tilespmem:s4+$0xFFFFFFE0] =	vst v2;
	v2 =	vsub.f32 $0.0e+00, v13;
	v15 =	vpop (erf);
	(pc) =	sbr.rel @p0 .LBB2_2-.Ltmp0, $4  }
0x86: {  	v1 =	vadd.f32 v1, v8;
	v8 =	vsel vm1, v3, v16;
	v11 =	vld.idx.msk [tilespmem:v10+s2+$0x0], $0xffff;
	v3 =	vmul.f32 v15, v14  }
0x87: {  	vm2 =	vmmov vm6;
	vm1 =	vmmov vm7;
	v10 =	vld.idx.msk [tilespmem:v12+s2+$0x0], $0xffff;
	v12 =	vpop (erf);
	[tilespmem:s4+$0xFFFFFFF0] =	vst v8;
	v13 =	vsel vm3, v2, v13  }
0x88: {  	v17 =	vand.u32 $0x7FFFFFFF, v1;
	v8 =	vld.idx.msk [tilespmem:v20+s2+$0x0], $0xffff;
	v2 =	vsub.f32 $1.000000000e+00, v12;
	v16 =	vadd.f32 $1.000000000e+00, v12;
	[tilespmem:s4+$0x0] =	vst v13  }
0x89: {  	v15 =	vmul.f32 $-2.000000000e+00, v17;
	v13 =	vsub.f32 $1.000000000e+00, v19;
	v12 =	vld.idx.msk [tilespmem:v9+s2+$0x0], $0xffff;
	v14 =	vpop (erf);
	v9 =	vsub.f32 $0.0e+00, v3  }
0x8a: {  	_ =	sdelay $0x3  }
0x8b: {  	v17 =	vadd.f32 $1.000000000e+00, v14;
	v7 =	vld.idx.msk [tilespmem:v7+s2+$0x0], $0xffff;
	v15 =	vmul.f32 $1.442695020e+00, v15  }
0x8c: {  	(erf) = vrcp.f32 v16;
	v6 =	vld.idx.msk [tilespmem:v6+s2+$0x0], $0xffff  }
0x8d: {  	v5 =	vld.idx.msk [tilespmem:v5+s2+$0x0], $0xffff;
	(erf) = vrcp.f32 v17  }
0x8e: {  	v4 =	vld.idx.msk [tilespmem:v4+s2+$0x0], $0xffff;
	(erf) = vpow2.f32 v15  }
0x8f: {  	v11 =	vand.u32 $0xFFFF0000, v11;
	v10 =	vshll.u32 v10, $0x10;
	v15 =	vpop (erf)  }
0x90: {  	v10 =	vadd.f32 v10, v11;
	v8 =	vand.u32 $0xFFFF0000, v8;
	v11 =	vshll.u32 v12, $0x10;
	v16 =	vpop (erf)  }
0x91: {  	v8 =	vadd.f32 v11, v8;
	v12 =	vadd.f32 $1.000000000e+00, v16;
	v17 =	vpop (erf)  }
0x92: {  	v18 =	vand.u32 $0x7FFFFFFF, v10;
	v7 =	vand.u32 $0xFFFF0000, v7;
	v11 =	vadd.f32 $1.000000000e+00, v17  }
0x93: {  	v6 =	vshll.u32 v6, $0x10;
	v5 =	vand.u32 $0xFFFF0000, v5;
	v4 =	vshll.u32 v4, $0x10  }
0x94: {  	v18 =	vmul.f32 $-2.000000000e+00, v18;
	v6 =	vadd.f32 v6, v7;
	v19 =	vand.u32 $0x7FFFFFFF, v8  }
0x95: {  	v4 =	vadd.f32 v4, v5;
	v7 =	vmul.f32 $-2.000000000e+00, v19;
	(erf) = vrcp.f32 v12;
	v12 =	vpop (erf)  }
0x96: {  	v5 =	vmul.f32 $1.442695020e+00, v18;
	v18 =	vand.u32 $0x7FFFFFFF, v6;
	(erf) = vrcp.f32 v11;
	v11 =	vpop (erf)  }
0x97: {  	v19 =	vand.u32 $0x7FFFFFFF, v4;
	v18 =	vmul.f32 $-2.000000000e+00, v18;
	v7 =	vmul.f32 $1.442695020e+00, v7;
	v20 =	vpop (erf)  }
0x98: {  	(erf) = vpow2.f32 v5;
	v5 =	vmul.f32 $-2.000000000e+00, v19;
	v19 =	vadd.f32 $1.000000000e+00, v20  }
0x99: {  	v18 =	vmul.f32 $1.442695020e+00, v18;
	(erf) = vpow2.f32 v7  }
0x9a: {  	v5 =	vmul.f32 $1.442695020e+00, v5;
	(erf) = vrcp.f32 v19  }
0x9b: {  	(erf) = vpow2.f32 v18  }
0x9c: {  	(erf) = vpow2.f32 v5;
	_ =	sdelay $0x1  }
0x9d: {  	v7 =	vmul.f32 v15, v13  }
0x9e: {  	v5 =	vpop (erf)  }
0x9f: {  	v18 =	vsub.f32 $0.0e+00, v7;
	v13 =	vpop (erf)  }
0xa0: {  	v14 =	vsub.f32 $1.000000000e+00, v14;
	v15 =	vpop (erf)  }
0xa1: {  	vm5 =	vmmov vm5;
	vm0 =	vmmov vm0;
	v19 =	vpop (erf)  }
0xa2: {  	v3 =	vsel vm0, v9, v3;
	vm0 =	vlt.f32 v0, $0.0e+00;
	v0 =	vadd.f32 $1.000000000e+00, v15;
	v9 =	vpop (erf)  }
0xa3: {  	v2 =	vmul.f32 v12, v2;
	v7 =	vsel vm0, v18, v7;
	v12 =	vadd.f32 $1.000000000e+00, v19;
	v18 =	vpop (erf)  }
0xa4: {  	v11 =	vmul.f32 v11, v14;
	(erf) = vrcp.f32 v0;
	v0 =	vadd.f32 $1.000000000e+00, v18;
	v14 =	vpop (erf)  }
0xa5: {  	v16 =	vsub.f32 $1.000000000e+00, v16;
	(erf) = vrcp.f32 v12;
	v12 =	vadd.f32 $1.000000000e+00, v14  }
0xa6: {  	vm7 =	vlt.f32 v8, $0.0e+00;
	v17 =	vsub.f32 $1.000000000e+00, v17;
	(erf) = vrcp.f32 v0  }
0xa7: {  	vm3 =	vlt.f32 v6, $0.0e+00;
	v0 =	vmul.f32 v5, v16;
	(erf) = vrcp.f32 v12  }
0xa8: {  	v8 =	vsub.f32 $0.0e+00, v11;
	v6 =	vmul.f32 v13, v17;
	v5 =	vsub.f32 $0.0e+00, v2  }
0xa9: {  	vm4 =	vmmov vm4;
	vm0 =	vlt.f32 v4, $0.0e+00;
	v4 =	vsub.f32 $0.0e+00, v0  }
0xaa: {  	v2 =	vsel vm2, v5, v2;
	v5 =	vsel vm1, v8, v11;
	v8 =	vsub.f32 $0.0e+00, v6  }
0xab: {  	s3 =	sadd.s32 $0x50, s4;
	vm4 =	vmmov vm4;
	[tilespmem:s4+$0x10] =	vst v3;
	v0 =	vsel vm5, v4, v0;
	v4 =	vsub.f32 $1.000000000e+00, v20  }
0xac: {  	v3 =	vsub.f32 $1.000000000e+00, v15;
	[tilespmem:s3+$0xFFFFFFE0] =	vst v2;
	v2 =	vsel vm4, v8, v6;
	v6 =	vsub.f32 $1.000000000e+00, v18  }
0xad: {  	vm6 =	vlt.f32 v10, $0.0e+00;
	[tilespmem:s3+$0x20] =	vst v7;
	v7 =	vsub.f32 $1.000000000e+00, v19;
	v4 =	vmul.f32 v9, v4;
	v9 =	vpop (erf)  }
0xae: {  	vm3 =	vmmov vm3;
	vm1 =	vmmov vm6;
	v8 =	vpop (erf);
	v3 =	vmul.f32 v9, v3  }
0xaf: {  	[tilespmem:s3+$0xFFFFFFF0] =	vst v5;
	v9 =	vsub.f32 $1.000000000e+00, v14;
	v5 =	vsub.f32 $0.0e+00, v4;
	v7 =	vmul.f32 v8, v7;
	v8 =	vpop (erf)  }
0xb0: {  	vm4 =	vlt.f32 v1, $0.0e+00;
	[tilespmem:s3+$0x0] =	vst v0;
	v0 =	vsub.f32 $0.0e+00, v3;
	v1 =	vmul.f32 v8, v6;
	v6 =	vpop (erf)  }
0xb1: {  	[tilespmem:s3+$0x10] =	vst v2;
	s3 =	sadd.s32 $0x50, s3;
	v2 =	vsel vm4, v5, v4;
	v4 =	vsub.f32 $0.0e+00, v7;
	v5 =	vmul.f32 v6, v9  }
0xb2: {  	vm2 =	vmmov vm7;
	[tilespmem:s3+$0x20] =	vst v2;
	v0 =	vsel vm1, v0, v3;
	v2 =	vsub.f32 $0.0e+00, v1  }
0xb3: {  	vm0 =	vmmov vm0;
	[tilespmem:s3+$0xFFFFFFE0] =	vst v0;
	v0 =	vsel vm2, v4, v7;
	v3 =	vsub.f32 $0.0e+00, v5  }
0xb4: {  	vm0 =	vmmov vm0;
	[tilespmem:s3+$0xFFFFFFF0] =	vst v0;
	v0 =	vsel vm3, v2, v1  }
0xb5: {  	[tilespmem:s3+$0x0] =	vst v0;
	v0 =	vsel vm0, v3, v5  }
0xb6: {  	[tilespmem:s3+$0x10] =	vst v0  }
0xb7: {  	s3 =	rddreg [dreg:$0x7]  }
0xb8: {  	[hbm4b:s3+s2] =	stream.linear.scatter [tilespmem:s30], [sflag:$0x3], $0x7D0, $0x38;
	[tilespmem:$0x5980] =	vst v63  }
0xb9: {  	s9 =	rddreg [dreg:$0x8];
	s3 =	sadd.s32 $0xFFFFFFB0, s17  }
0xba: {  	[tilespmem:s25], [sflag:$0x2] =	stream.linear.gather [hbm4b:s9+s2], $0x1100, $0x38;
	[tilespmem:$0x5980] =	vst v63  }
0xbb: {  	s10 =	sadd.s32 $0x90, s3;
	_ =	swait.ge [sflag:s29], $0x1100  }
0xbc: {  	s5 =	sand.u32 $0xFFFFFF00, s18;
	s4 =	sand.u32 $0x70, s10;
	[sflag:s29] =	ssyncset.done $0x0  }
0xbd: {  	s4 =	sor.u32 s4, s5;
	[sflag:s29] =	ssyncadd.s32 $0xFFFFEF00  }
0xbe: {  	v0 =	vld [tilespmem:s4+$0x3880]  }
0xbf: {  	s26 =	sadd.s32 $0xFFFFFF80, s18;
	s11 =	sadd.s32 $0x50, s3;
	v1 =	vld [tilespmem:s4+$0x3900]  }
0xc0: {  	s5 =	sand.u32 $0xFFFFFF00, s26;
	s4 =	sand.u32 $0x70, s11  }
0xc1: {  	s6 =	sadd.s32 $0xFFFFFFA0, s18;
	s31 =	sadd.s32 $0x60, s3;
	s4 =	sor.u32 s4, s5  }
0xc2: {  	s6 =	sand.u32 $0xFFFFFF00, s6;
	s5 =	sand.u32 $0x70, s31;
	v2 =	vld [tilespmem:s4+$0x3880]  }
0xc3: {  	v3 =	vld [tilespmem:s4+$0x3900];
	s4 =	sor.u32 s5, s6  }
0xc4: {  	v4 =	vld [tilespmem:s4+$0x3880]  }
0xc5: {  	s7 =	sadd.s32 $0xFFFFFFC0, s18;
	s8 =	sadd.s32 $0x70, s3;
	v5 =	vld [tilespmem:s4+$0x3900]  }
0xc6: {  	s9 =	sand.u32 $0x70, s8;
	s10 =	sand.u32 $0xFFFFFF00, s7;
	v0 =	vld.idx.msk [tilespmem:v0+s2+$0x0], $0xffff  }
0xc7: {  	s3 =	sadd.s32 $0x80, s3;
	s11 =	sadd.s32 $0xFFFFFFE0, s18;
	s5 =	sor.u32 s9, s10;
	v1 =	vld.idx.msk [tilespmem:v1+s2+$0x0], $0xffff  }
0xc8: {  	s3 =	sand.u32 $0x70, s3;
	s26 =	sand.u32 $0xFFFFFF00, s11;
	v6 =	vld [tilespmem:s5+$0x3880]  }
0xc9: {  	s3 =	sor.u32 s3, s26;
	v7 =	vld [tilespmem:s5+$0x3900]  }
0xca: {  	v8 =	vld [tilespmem:s3+$0x3880]  }
0xcb: {  	v9 =	vld [tilespmem:s3+$0x3900]  }
0xcc: {  	v4 =	vld.idx.msk [tilespmem:v4+s2+$0x0], $0xffff;
	v0 =	vand.u32 $0xFFFF0000, v0;
	v1 =	vshll.u32 v1, $0x10  }
0xcd: {  	v1 =	vadd.f32 v1, v0;
	v0 =	vld.idx.msk [tilespmem:v2+s2+$0x0], $0xffff  }
0xce: {  	v2 =	vld.idx.msk [tilespmem:v3+s2+$0x0], $0xffff  }
0xcf: {  	v5 =	vld.idx.msk [tilespmem:v5+s2+$0x0], $0xffff  }
0xd0: {  	v3 =	vand.u32 $0x7FFFFFFF, v1  }
0xd1: {  	s31 =	sadd.s32 $0x0, s17;
	v6 =	vld.idx.msk [tilespmem:v6+s2+$0x0], $0xffff;
	v3 =	vmul.f32 $-2.000000000e+00, v3  }
0xd2: {  	s6 =	sadd.s32 $0x90, s31;
	s3 =	sadd.s32 $0xA0, s18;
	v7 =	vld.idx.msk [tilespmem:v7+s2+$0x0], $0xffff  }
0xd3: {  	s5 =	sand.u32 $0x70, s6;
	s7 =	sand.u32 $0xFFFFFF00, s3;
	v8 =	vld.idx.msk [tilespmem:v8+s2+$0x0], $0xffff;
	v3 =	vmul.f32 $1.442695020e+00, v3;
	v0 =	vand.u32 $0xFFFF0000, v0;
	v2 =	vshll.u32 v2, $0x10  }
0xd4: {  	s5 =	sor.u32 s5, s7;
	v9 =	vld.idx.msk [tilespmem:v9+s2+$0x0], $0xffff;
	v5 =	vshll.u32 v5, $0x10;
	v0 =	vadd.f32 v2, v0;
	v2 =	vand.u32 $0xFFFF0000, v4  }
0xd5: {  	s8 =	sadd.s32 $0x50, s31;
	s9 =	sadd.s32 $0xFFFFFF80, s3;
	v4 =	vld [tilespmem:s5+$0x3900];
	(erf) = vpow2.f32 v3;
	v2 =	vadd.f32 v5, v2  }
0xd6: {  	s6 =	sand.u32 $0xFFFFFF00, s9;
	v6 =	vand.u32 $0xFFFF0000, v6;
	v3 =	vld [tilespmem:s5+$0x3880];
	s5 =	sand.u32 $0x70, s8  }
0xd7: {  	v7 =	vshll.u32 v7, $0x10;
	v5 =	vand.u32 $0x7FFFFFFF, v0;
	s5 =	sor.u32 s5, s6;
	v10 =	vand.u32 $0x7FFFFFFF, v2  }
0xd8: {  	s11 =	sadd.s32 $0xFFFFFFA0, s3;
	v6 =	vadd.f32 v7, v6;
	s8 =	sadd.s32 $0x60, s31;
	v5 =	vmul.f32 $-2.000000000e+00, v5;
	v7 =	vmul.f32 $-2.000000000e+00, v10;
	v10 =	vld [tilespmem:s5+$0x3880]  }
0xd9: {  	s7 =	sand.u32 $0xFFFFFF00, s11;
	s8 =	sand.u32 $0x70, s8  }
0xda: {  	v12 =	vld [tilespmem:s5+$0x3900];
	s7 =	sor.u32 s8, s7;
	v5 =	vmul.f32 $1.442695020e+00, v5  }
0xdb: {  	v8 =	vand.u32 $0xFFFF0000, v8;
	v9 =	vshll.u32 v9, $0x10;
	v13 =	vld [tilespmem:s7+$0x3880]  }
0xdc: {  	s10 =	sadd.s32 $0x70, s31;
	s4 =	sadd.s32 $0x80, s31;
	v8 =	vadd.f32 v9, v8;
	s31 =	sadd.s32 $0xFFFFFFE0, s3;
	v14 =	vld [tilespmem:s7+$0x3900];
	v7 =	vmul.f32 $1.442695020e+00, v7;
	(erf) = vpow2.f32 v5  }
0xdd: {  	s4 =	sand.u32 $0x70, s4;
	v11 =	vand.u32 $0x7FFFFFFF, v6;
	s7 =	sand.u32 $0xFFFFFF00, s31;
	v4 =	vld.idx.msk [tilespmem:v4+s2+$0x0], $0xffff  }
0xde: {  	s26 =	sadd.s32 $0xFFFFFFC0, s3;
	v9 =	vmul.f32 $-2.000000000e+00, v11;
	s4 =	sor.u32 s4, s7;
	(erf) = vpow2.f32 v7;
	v7 =	vand.u32 $0x7FFFFFFF, v8;
	v3 =	vld.idx.msk [tilespmem:v3+s2+$0x0], $0xffff;
	v5 =	vpop (erf)  }
0xdf: {  	s6 =	sand.u32 $0x70, s10;
	s5 =	sand.u32 $0xFFFFFF00, s26;
	v15 =	vld [tilespmem:s4+$0x3880];
	v7 =	vmul.f32 $-2.000000000e+00, v7;
	v11 =	vadd.f32 $1.000000000e+00, v5  }
0xe0: {  	v9 =	vmul.f32 $1.442695020e+00, v9;
	vm1 =	vlt.f32 v2, $0.0e+00;
	s5 =	sor.u32 s6, s5;
	v2 =	vld.idx.msk [tilespmem:v10+s2+$0x0], $0xffff  }
0xe1: {  	v7 =	vmul.f32 $1.442695020e+00, v7;
	(erf) = vrcp.f32 v11;
	v11 =	vld [tilespmem:s5+$0x3880]  }
0xe2: {  	vm3 =	vlt.f32 v6, $0.0e+00;
	vm0 =	vlt.f32 v0, $0.0e+00;
	(erf) = vpow2.f32 v9;
	v9 =	vld [tilespmem:s5+$0x3900]  }
0xe3: {  	v6 =	vld.idx.msk [tilespmem:v13+s2+$0x0], $0xffff;
	v0 =	vand.u32 $0xFFFF0000, v3;
	v3 =	vshll.u32 v4, $0x10;
	(erf) = vpow2.f32 v7  }
0xe4: {  	v0 =	vadd.f32 v3, v0;
	v3 =	vld.idx.msk [tilespmem:v12+s2+$0x0], $0xffff  }
0xe5: {  	vm4 =	vlt.f32 v8, $0.0e+00;
	vm3 =	vmmov vm3;
	vm2 =	vmmov vm0;
	v7 =	vld [tilespmem:s4+$0x3900];
	v4 =	vpop (erf)  }
0xe6: {  	vm0 =	vmmov vm4;
	v13 =	vld.idx.msk [tilespmem:v14+s2+$0x0], $0xffff;
	v10 =	vsub.f32 $1.000000000e+00, v4;
	v4 =	vadd.f32 $1.000000000e+00, v4  }
0xe7: {  	vm4 =	vlt.f32 v1, $0.0e+00;
	v5 =	vsub.f32 $1.000000000e+00, v5;
	s4 =	sadd.s32 $0x50, s17;
	v8 =	vand.u32 $0x7FFFFFFF, v0;
	v12 =	vpop (erf)  }
0xe8: {  	s3 =	sadd.s32 $0xA0, s3;
	v15 =	vld.idx.msk [tilespmem:v15+s2+$0x0], $0xffff;
	s8 =	sadd.s32 $0x90, s4;
	v8 =	vmul.f32 $-2.000000000e+00, v8;
	v14 =	vsub.f32 $1.000000000e+00, v12;
	v12 =	vadd.f32 $1.000000000e+00, v12  }
0xe9: {  	s9 =	sand.u32 $0xFFFFFF00, s3;
	s5 =	sand.u32 $0x70, s8;
	v2 =	vand.u32 $0xFFFF0000, v2;
	(erf) = vrcp.f32 v4;
	v3 =	vshll.u32 v3, $0x10;
	v11 =	vld.idx.msk [tilespmem:v11+s2+$0x0], $0xffff  }
0xea: {  	s5 =	sor.u32 s5, s9;
	v8 =	vmul.f32 $1.442695020e+00, v8;
	(erf) = vrcp.f32 v12;
	v2 =	vadd.f32 v3, v2;
	v4 =	vpop (erf);
	v9 =	vld.idx.msk [tilespmem:v9+s2+$0x0], $0xffff  }
0xeb: {  	v1 =	vld [tilespmem:s5+$0x3900];
	v3 =	vand.u32 $0xFFFF0000, v6;
	v6 =	vshll.u32 v13, $0x10;
	v4 =	vmul.f32 v4, v5;
	v5 =	vpop (erf)  }
0xec: {  	v17 =	vld [tilespmem:s5+$0x3880];
	v3 =	vadd.f32 v6, v3;
	(erf) = vpow2.f32 v8;
	v16 =	vadd.f32 $1.000000000e+00, v5;
	v12 =	vpop (erf)  }
0xed: {  	vm1 =	vmmov vm1;
	v7 =	vld.idx.msk [tilespmem:v7+s2+$0x0], $0xffff;
	v8 =	vsub.f32 $0.0e+00, v4;
	v13 =	vadd.f32 $1.000000000e+00, v12  }
0xee: {  	v6 =	vand.u32 $0xFFFF0000, v11;
	(erf) = vrcp.f32 v16;
	v11 =	vand.u32 $0x7FFFFFFF, v3  }
0xef: {  	s11 =	sadd.s32 $0xFFFFFF80, s3;
	s10 =	sadd.s32 $0x50, s4;
	v8 =	vsel vm4, v8, v4;
	v4 =	vand.u32 $0x7FFFFFFF, v2;
	v9 =	vshll.u32 v9, $0x10  }
0xf0: {  	s6 =	sand.u32 $0xFFFFFF00, s11;
	s5 =	sand.u32 $0x70, s10;
	v11 =	vmul.f32 $-2.000000000e+00, v11;
	v4 =	vmul.f32 $-2.000000000e+00, v4;
	v9 =	vadd.f32 v9, v6  }
0xf1: {  	s5 =	sor.u32 s5, s6;
	vm6 =	vlt.f32 v2, $0.0e+00;
	(erf) = vrcp.f32 v13;
	v6 =	vand.u32 $0xFFFF0000, v15  }
0xf2: {  	v16 =	vld [tilespmem:s5+$0x3880];
	v7 =	vshll.u32 v7, $0x10;
	v4 =	vmul.f32 $1.442695020e+00, v4;
	v18 =	vand.u32 $0x7FFFFFFF, v9  }
0xf3: {  	s31 =	sadd.s32 $0xFFFFFFA0, s3;
	s26 =	sadd.s32 $0x60, s4;
	v5 =	vsub.f32 $1.000000000e+00, v5;
	v1 =	vld.idx.msk [tilespmem:v1+s2+$0x0], $0xffff;
	v15 =	vpop (erf);
	v19 =	vadd.f32 v7, v6;
	v7 =	vmul.f32 $-2.000000000e+00, v18  }
0xf4: {  	s7 =	sand.u32 $0xFFFFFF00, s31;
	s6 =	sand.u32 $0x70, s26;
	vm7 =	vlt.f32 v3, $0.0e+00;
	v13 =	vld [tilespmem:s5+$0x3900];
	v6 =	vmul.f32 $1.442695020e+00, v11;
	v11 =	vpop (erf);
	(erf) = vpow2.f32 v4  }
0xf5: {  	s8 =	sadd.s32 $0x70, s4;
	s9 =	sadd.s32 $0xFFFFFFC0, s3;
	v12 =	vsub.f32 $1.000000000e+00, v12;
	v17 =	vld.idx.msk [tilespmem:v17+s2+$0x0], $0xffff;
	s5 =	sor.u32 s6, s7;
	v18 =	vand.u32 $0x7FFFFFFF, v19;
	v63 =	vpop (erf);
	v4 =	vmul.f32 $1.442695020e+00, v7  }
0xf6: {  	s10 =	sand.u32 $0x70, s8;
	s11 =	sand.u32 $0xFFFFFF00, s9;
	v2 =	vld [tilespmem:s5+$0x3880];
	v7 =	vmul.f32 $-2.000000000e+00, v18;
	v18 =	vadd.f32 $1.000000000e+00, v63;
	(erf) = vpow2.f32 v6  }
0xf7: {  	s4 =	sadd.s32 $0x80, s4;
	s26 =	sadd.s32 $0xFFFFFFE0, s3;
	s6 =	sor.u32 s10, s11;
	v10 =	vmul.f32 v15, v10;
	v15 =	vld [tilespmem:s5+$0x3900];
	vm5 =	vlt.f32 v9, $0.0e+00;
	v14 =	vmul.f32 v11, v14  }
0xf8: {  	s4 =	sand.u32 $0x70, s4;
	s31 =	sand.u32 $0xFFFFFF00, s26;
	v1 =	vshll.u32 v1, $0x10;
	v6 =	vld [tilespmem:s6+$0x3900];
	v3 =	vmul.f32 $1.442695020e+00, v7;
	(erf) = vrcp.f32 v18;
	v11 =	vpop (erf)  }
0xf9: {  	s5 =	sor.u32 s4, s31;
	v7 =	vld [tilespmem:s6+$0x3880];
	(erf) = vpow2.f32 v4;
	v4 =	vsub.f32 $0.0e+00, v10;
	v9 =	vmul.f32 v11, v5  }
0xfa: {  	s4 =	simm.s32 $0x51A0;
	v5 =	vld [tilespmem:s5+$0x3880];
	v11 =	vand.u32 $0xFFFF0000, v17;
	(erf) = vpow2.f32 v3;
	v3 =	vsub.f32 $0.0e+00, v14  }
0xfb: {  	[tilespmem:s4+$0x20] =	vst v8;
	v1 =	vadd.f32 v1, v11;
	v18 =	vpop (erf);
	v11 =	vld.idx.msk [tilespmem:v16+s2+$0x0], $0xffff;
	v10 =	vsel vm2, v4, v10;
	v17 =	vsub.f32 $0.0e+00, v9  }
0xfc: {  	vm4 =	vlt.f32 v19, $0.0e+00;
	v4 =	vld [tilespmem:s5+$0x3900];
	v8 =	vsel vm1, v3, v14;
	v3 =	vmul.f32 v18, v12;
	[tilespmem:s4+$0xFFFFFFE0] =	vst v10  }
0xfd: {  	vm2 =	vmmov vm6;
	v10 =	vld.idx.msk [tilespmem:v13+s2+$0x0], $0xffff;
	vm1 =	vmmov vm7;
	v9 =	vsel vm3, v17, v9;
	[tilespmem:s4+$0xFFFFFFF0] =	vst v8;
	v12 =	vpop (erf)  }
0xfe: {  	v13 =	vand.u32 $0x7FFFFFFF, v1;
	v8 =	vld.idx.msk [tilespmem:v2+s2+$0x0], $0xffff;
	[tilespmem:s4+$0x0] =	vst v9;
	v9 =	vsub.f32 $0.0e+00, v3;
	v16 =	vadd.f32 $1.000000000e+00, v12  }
0xff: {  	s5 =	simm.s32 $0xA0;
	v2 =	vsub.f32 $1.000000000e+00, v12;
	v12 =	vld.idx.msk [tilespmem:v15+s2+$0x0], $0xffff;
	v15 =	vmul.f32 $-2.000000000e+00, v13;
	v13 =	vsub.f32 $1.000000000e+00, v63;
	v14 =	vpop (erf)  }
.LBB2_4:
0x100: {  	v17 =	vsub.f32 $1.000000000e+00, v14;
	v18 =	vadd.f32 $1.000000000e+00, v14;
	(erf) = vrcp.f32 v16  }
0x101: {  	s6 =	sadd.s32 s5, s17;
	v7 =	vld.idx.msk [tilespmem:v7+s2+$0x0], $0xffff;
	v16 =	vpop (erf);
	vm3 =	vmmov vm5;
	vm5 =	vmmov vm0;
	vm0 =	vmmov vm4  }
0x102: {  	s5 =	sadd.s32 $0x50, s5;
	s3 =	sadd.s32 $0xA0, s3;
	s7 =	sadd.s32 $0x90, s6;
	v6 =	vld.idx.msk [tilespmem:v6+s2+$0x0], $0xffff;
	v15 =	vmul.f32 $1.442695020e+00, v15;
	v13 =	vmul.f32 v16, v13;
	v16 =	vpop (erf);
	v3 =	vsel vm5, v9, v3  }
0x103: {  	s8 =	sand.u32 $0xFFFFFF00, s3;
	p0 =	slt.u32 s5, $0x780;
	v9 =	vand.u32 $0xFFFF0000, v11;
	s7 =	sand.u32 $0x70, s7;
	v5 =	vld.idx.msk [tilespmem:v5+s2+$0x0], $0xffff;
	v11 =	vadd.f32 $1.000000000e+00, v16;
	(erf) = vrcp.f32 v18;
	v14 =	vpop (erf);
	[tilespmem:s4+$0x10] =	vst v3  }
0x104: {  	s9 =	sadd.s32 $0x50, s6;
	s10 =	sadd.s32 $0x60, s6;
	v3 =	vshll.u32 v10, $0x10;
	s7 =	sor.u32 s7, s8;
	v4 =	vld.idx.msk [tilespmem:v4+s2+$0x0], $0xffff;
	(erf) = vpow2.f32 v15;
	v10 =	vsub.f32 $0.0e+00, v13  }
0x105: {  	vm4 =	vlt.f32 v0, $0.0e+00;
	v0 =	vmovc v1;
	s11 =	sadd.s32 $0x70, s6;
	s6 =	sadd.s32 $0x80, s6;
	s8 =	sadd.s32 $0xFFFFFF80, s3;
	v3 =	vadd.f32 v3, v9;
	v8 =	vand.u32 $0xFFFF0000, v8;
	v15 =	vld [tilespmem:s7+$0x3880]  }
0x106: {  	s26 =	sadd.s32 $0xFFFFFFA0, s3;
	s31 =	sadd.s32 $0xFFFFFFC0, s3;
	s4 =	sadd.s32 $0x50, s4;
	v9 =	vshll.u32 v12, $0x10;
	v12 =	vadd.f32 $1.000000000e+00, v14;
	v1 =	vld [tilespmem:s7+$0x3900];
	v10 =	vsel vm4, v10, v13  }
0x107: {  	s7 =	sand.u32 $0x70, s9;
	s9 =	sand.u32 $0x70, s10;
	s10 =	sadd.s32 $0xFFFFFFE0, s3;
	v13 =	vand.u32 $0x7FFFFFFF, v3;
	v8 =	vadd.f32 v9, v8;
	v7 =	vand.u32 $0xFFFF0000, v7;
	[tilespmem:s4+$0x20] =	vst v10  }
0x108: {  	s11 =	sand.u32 $0x70, s11;
	s6 =	sand.u32 $0x70, s6;
	s8 =	sand.u32 $0xFFFFFF00, s8;
	v13 =	vmul.f32 $-2.000000000e+00, v13;
	v6 =	vshll.u32 v6, $0x10;
	(erf) = vrcp.f32 v11  }
0x109: {  	s26 =	sand.u32 $0xFFFFFF00, s26;
	s31 =	sand.u32 $0xFFFFFF00, s31;
	s10 =	sand.u32 $0xFFFFFF00, s10;
	v10 =	vand.u32 $0x7FFFFFFF, v8;
	v11 =	vadd.f32 v6, v7;
	v5 =	vand.u32 $0xFFFF0000, v5  }
0x10a: {  	s7 =	sor.u32 s7, s8;
	s8 =	sor.u32 s9, s26;
	s9 =	sor.u32 s11, s31;
	v6 =	vmul.f32 $1.442695020e+00, v13;
	v7 =	vmul.f32 $-2.000000000e+00, v10;
	v4 =	vshll.u32 v4, $0x10;
	v9 =	vpop (erf)  }
0x10b: {  	s6 =	sor.u32 s6, s10;
	v13 =	vand.u32 $0x7FFFFFFF, v11;
	v4 =	vadd.f32 v4, v5;
	v10 =	vld [tilespmem:s7+$0x3880];
	(erf) = vrcp.f32 v12  }
0x10c: {  	v5 =	vmul.f32 $1.442695020e+00, v7;
	v7 =	vmul.f32 $-2.000000000e+00, v13;
	v13 =	vsub.f32 $1.000000000e+00, v16;
	v12 =	vld [tilespmem:s7+$0x3900];
	v16 =	vpop (erf)  }
0x10d: {  	v14 =	vsub.f32 $1.000000000e+00, v14;
	v18 =	vand.u32 $0x7FFFFFFF, v4;
	v15 =	vld.idx.msk [tilespmem:v15+s2+$0x0], $0xffff;
	(erf) = vpow2.f32 v6;
	v19 =	vpop (erf)  }
0x10e: {  	v6 =	vmul.f32 $1.442695020e+00, v7;
	v7 =	vmul.f32 $-2.000000000e+00, v18;
	v1 =	vld.idx.msk [tilespmem:v1+s2+$0x0], $0xffff;
	v18 =	vadd.f32 $1.000000000e+00, v19  }
0x10f: {  	vm6 =	vlt.f32 v3, $0.0e+00;
	v2 =	vmul.f32 v9, v2;
	v20 =	vld [tilespmem:s8+$0x3880];
	(erf) = vpow2.f32 v5  }
0x110: {  	vm7 =	vlt.f32 v8, $0.0e+00;
	v3 =	vmul.f32 $1.442695020e+00, v7;
	v9 =	vld [tilespmem:s8+$0x3900];
	(erf) = vrcp.f32 v18  }
0x111: {  	v8 =	vsub.f32 $0.0e+00, v2;
	v16 =	vmul.f32 v16, v17;
	v7 =	vld [tilespmem:s9+$0x3880];
	(erf) = vpow2.f32 v6;
	v5 =	vpop (erf)  }
0x112: {  	vm5 =	vlt.f32 v11, $0.0e+00;
	v6 =	vld [tilespmem:s9+$0x3900];
	(erf) = vpow2.f32 v3;
	v13 =	vmul.f32 v5, v13  }
0x113: {  	vm4 =	vlt.f32 v4, $0.0e+00;
	v2 =	vsel vm2, v8, v2;
	v3 =	vsub.f32 $0.0e+00, v16;
	v5 =	vld [tilespmem:s6+$0x3880]  }
.Ltmp1:
0x114: {  	v8 =	vand.u32 $0xFFFF0000, v15;
	v1 =	vshll.u32 v1, $0x10;
	v4 =	vld [tilespmem:s6+$0x3900];
	[tilespmem:s4+$0xFFFFFFE0] =	vst v2;
	v2 =	vsub.f32 $0.0e+00, v13;
	v15 =	vpop (erf);
	(pc) =	sbr.rel @p0 .LBB2_4-.Ltmp1, $4  }
0x115: {  	v1 =	vadd.f32 v1, v8;
	v8 =	vsel vm1, v3, v16;
	v11 =	vld.idx.msk [tilespmem:v10+s2+$0x0], $0xffff;
	v3 =	vmul.f32 v15, v14  }
0x116: {  	vm2 =	vmmov vm6;
	vm1 =	vmmov vm7;
	v10 =	vld.idx.msk [tilespmem:v12+s2+$0x0], $0xffff;
	v12 =	vpop (erf);
	[tilespmem:s4+$0xFFFFFFF0] =	vst v8;
	v13 =	vsel vm3, v2, v13  }
0x117: {  	v17 =	vand.u32 $0x7FFFFFFF, v1;
	v8 =	vld.idx.msk [tilespmem:v20+s2+$0x0], $0xffff;
	v2 =	vsub.f32 $1.000000000e+00, v12;
	v16 =	vadd.f32 $1.000000000e+00, v12;
	[tilespmem:s4+$0x0] =	vst v13  }
0x118: {  	v15 =	vmul.f32 $-2.000000000e+00, v17;
	v13 =	vsub.f32 $1.000000000e+00, v19;
	v12 =	vld.idx.msk [tilespmem:v9+s2+$0x0], $0xffff;
	v14 =	vpop (erf);
	v9 =	vsub.f32 $0.0e+00, v3  }
0x119: {  	_ =	sdelay $0x3  }
0x11a: {  	v17 =	vadd.f32 $1.000000000e+00, v14;
	v7 =	vld.idx.msk [tilespmem:v7+s2+$0x0], $0xffff;
	v15 =	vmul.f32 $1.442695020e+00, v15  }
0x11b: {  	(erf) = vrcp.f32 v16;
	v6 =	vld.idx.msk [tilespmem:v6+s2+$0x0], $0xffff  }
0x11c: {  	v5 =	vld.idx.msk [tilespmem:v5+s2+$0x0], $0xffff;
	(erf) = vrcp.f32 v17  }
0x11d: {  	v4 =	vld.idx.msk [tilespmem:v4+s2+$0x0], $0xffff;
	(erf) = vpow2.f32 v15  }
0x11e: {  	v11 =	vand.u32 $0xFFFF0000, v11;
	v10 =	vshll.u32 v10, $0x10;
	v15 =	vpop (erf)  }
0x11f: {  	v10 =	vadd.f32 v10, v11;
	v8 =	vand.u32 $0xFFFF0000, v8;
	v11 =	vshll.u32 v12, $0x10;
	v16 =	vpop (erf)  }
0x120: {  	v8 =	vadd.f32 v11, v8;
	v12 =	vadd.f32 $1.000000000e+00, v16;
	v17 =	vpop (erf)  }
0x121: {  	v18 =	vand.u32 $0x7FFFFFFF, v10;
	v7 =	vand.u32 $0xFFFF0000, v7;
	v11 =	vadd.f32 $1.000000000e+00, v17  }
0x122: {  	v6 =	vshll.u32 v6, $0x10;
	v5 =	vand.u32 $0xFFFF0000, v5;
	v4 =	vshll.u32 v4, $0x10  }
0x123: {  	v18 =	vmul.f32 $-2.000000000e+00, v18;
	v6 =	vadd.f32 v6, v7;
	v19 =	vand.u32 $0x7FFFFFFF, v8  }
0x124: {  	v4 =	vadd.f32 v4, v5;
	v7 =	vmul.f32 $-2.000000000e+00, v19;
	(erf) = vrcp.f32 v12;
	v12 =	vpop (erf)  }
0x125: {  	v5 =	vmul.f32 $1.442695020e+00, v18;
	v18 =	vand.u32 $0x7FFFFFFF, v6;
	(erf) = vrcp.f32 v11;
	v11 =	vpop (erf)  }
0x126: {  	v19 =	vand.u32 $0x7FFFFFFF, v4;
	v18 =	vmul.f32 $-2.000000000e+00, v18;
	v7 =	vmul.f32 $1.442695020e+00, v7;
	v20 =	vpop (erf)  }
0x127: {  	(erf) = vpow2.f32 v5;
	v5 =	vmul.f32 $-2.000000000e+00, v19;
	v19 =	vadd.f32 $1.000000000e+00, v20  }
0x128: {  	v18 =	vmul.f32 $1.442695020e+00, v18;
	(erf) = vpow2.f32 v7  }
0x129: {  	v5 =	vmul.f32 $1.442695020e+00, v5;
	(erf) = vrcp.f32 v19  }
0x12a: {  	(erf) = vpow2.f32 v18  }
0x12b: {  	(erf) = vpow2.f32 v5;
	_ =	sdelay $0x1  }
0x12c: {  	v7 =	vmul.f32 v15, v13  }
0x12d: {  	v5 =	vpop (erf)  }
0x12e: {  	v18 =	vsub.f32 $0.0e+00, v7;
	v13 =	vpop (erf)  }
0x12f: {  	v14 =	vsub.f32 $1.000000000e+00, v14;
	v15 =	vpop (erf)  }
0x130: {  	vm5 =	vmmov vm5;
	vm0 =	vmmov vm0;
	v19 =	vpop (erf)  }
0x131: {  	v3 =	vsel vm0, v9, v3;
	vm0 =	vlt.f32 v0, $0.0e+00;
	v0 =	vadd.f32 $1.000000000e+00, v15;
	v9 =	vpop (erf)  }
0x132: {  	v2 =	vmul.f32 v12, v2;
	v7 =	vsel vm0, v18, v7;
	v12 =	vadd.f32 $1.000000000e+00, v19;
	v18 =	vpop (erf)  }
0x133: {  	v11 =	vmul.f32 v11, v14;
	(erf) = vrcp.f32 v0;
	v0 =	vadd.f32 $1.000000000e+00, v18;
	v14 =	vpop (erf)  }
0x134: {  	v16 =	vsub.f32 $1.000000000e+00, v16;
	(erf) = vrcp.f32 v12;
	v12 =	vadd.f32 $1.000000000e+00, v14  }
0x135: {  	vm7 =	vlt.f32 v8, $0.0e+00;
	v17 =	vsub.f32 $1.000000000e+00, v17;
	(erf) = vrcp.f32 v0  }
0x136: {  	vm3 =	vlt.f32 v6, $0.0e+00;
	v0 =	vmul.f32 v5, v16;
	(erf) = vrcp.f32 v12  }
0x137: {  	v8 =	vsub.f32 $0.0e+00, v11;
	v6 =	vmul.f32 v13, v17;
	v5 =	vsub.f32 $0.0e+00, v2  }
0x138: {  	vm4 =	vmmov vm4;
	vm0 =	vlt.f32 v4, $0.0e+00;
	v4 =	vsub.f32 $0.0e+00, v0  }
0x139: {  	v2 =	vsel vm2, v5, v2;
	v5 =	vsel vm1, v8, v11;
	v8 =	vsub.f32 $0.0e+00, v6  }
0x13a: {  	s3 =	sadd.s32 $0x50, s4;
	vm4 =	vmmov vm4;
	[tilespmem:s4+$0x10] =	vst v3;
	v0 =	vsel vm5, v4, v0;
	v4 =	vsub.f32 $1.000000000e+00, v20  }
0x13b: {  	v3 =	vsub.f32 $1.000000000e+00, v15;
	[tilespmem:s3+$0xFFFFFFE0] =	vst v2;
	v2 =	vsel vm4, v8, v6;
	v6 =	vsub.f32 $1.000000000e+00, v18  }
0x13c: {  	vm6 =	vlt.f32 v10, $0.0e+00;
	[tilespmem:s3+$0x20] =	vst v7;
	v7 =	vsub.f32 $1.000000000e+00, v19;
	v4 =	vmul.f32 v9, v4;
	v9 =	vpop (erf)  }
0x13d: {  	vm3 =	vmmov vm3;
	vm1 =	vmmov vm6;
	v8 =	vpop (erf);
	v3 =	vmul.f32 v9, v3  }
0x13e: {  	[tilespmem:s3+$0xFFFFFFF0] =	vst v5;
	v9 =	vsub.f32 $1.000000000e+00, v14;
	v5 =	vsub.f32 $0.0e+00, v4;
	v7 =	vmul.f32 v8, v7;
	v8 =	vpop (erf)  }
0x13f: {  	vm4 =	vlt.f32 v1, $0.0e+00;
	[tilespmem:s3+$0x0] =	vst v0;
	v0 =	vsub.f32 $0.0e+00, v3;
	v1 =	vmul.f32 v8, v6;
	v6 =	vpop (erf)  }
0x140: {  	[tilespmem:s3+$0x10] =	vst v2;
	s3 =	sadd.s32 $0x50, s3;
	v2 =	vsel vm4, v5, v4;
	v4 =	vsub.f32 $0.0e+00, v7;
	v5 =	vmul.f32 v6, v9  }
0x141: {  	vm2 =	vmmov vm7;
	[tilespmem:s3+$0x20] =	vst v2;
	v0 =	vsel vm1, v0, v3;
	v2 =	vsub.f32 $0.0e+00, v1  }
0x142: {  	vm0 =	vmmov vm0;
	[tilespmem:s3+$0xFFFFFFE0] =	vst v0;
	v0 =	vsel vm2, v4, v7;
	v3 =	vsub.f32 $0.0e+00, v5  }
0x143: {  	vm0 =	vmmov vm0;
	[tilespmem:s3+$0xFFFFFFF0] =	vst v0;
	v0 =	vsel vm3, v2, v1  }
0x144: {  	[tilespmem:s3+$0x0] =	vst v0;
	v0 =	vsel vm0, v3, v5  }
0x145: {  	[tilespmem:s3+$0x10] =	vst v0  }
0x146: {  	s7 =	simm.s32 $0x5180;
	s3 =	rddreg [dreg:$0x9]  }
0x147: {  	[hbm4b:s3+s2] =	stream.linear.scatter [tilespmem:s7], [sflag:$0x3], $0x7D0, $0x38;
	[tilespmem:$0x5980] =	vst v63  }
0x148: {  	s9 =	simm.s32 $0x3880;
	s8 =	rddreg [dreg:$0xa]  }
0x149: {  	[tilespmem:s9], [sflag:$0x2] =	stream.linear.gather [hbm4b:s8+s2], $0x1100, $0x38;
	[tilespmem:$0x5980] =	vst v63  }
0x14a: {  	_ =	swait.ge [sflag:s29], $0x1100  }
0x14b: {  	[sflag:s29] =	ssyncset.done $0x0  }
0x14c: {  	s3 =	sadd.s32 $0xFFFFFFB0, s19;
	[sflag:s29] =	ssyncadd.s32 $0xFFFFEF00  }
0x14d: {  	s10 =	sadd.s32 $0x90, s3;
	_ =	swait.ge [sflag:s1], $0x7D0  }
0x14e: {  	s5 =	sand.u32 $0xFFFFFF00, s20;
	s4 =	sand.u32 $0x70, s10;
	[sflag:s1] =	ssyncset.done $0x0  }
0x14f: {  	s4 =	sor.u32 s4, s5;
	[sflag:s1] =	ssyncadd.s32 $0xFFFFF830  }
0x150: {  	v0 =	vld [tilespmem:s4+$0x2780]  }
0x151: {  	s26 =	sadd.s32 $0xFFFFFF80, s20;
	s11 =	sadd.s32 $0x50, s3;
	v1 =	vld [tilespmem:s4+$0x2800]  }
0x152: {  	s5 =	sand.u32 $0xFFFFFF00, s26;
	s4 =	sand.u32 $0x70, s11  }
0x153: {  	s6 =	sadd.s32 $0xFFFFFFA0, s20;
	s31 =	sadd.s32 $0x60, s3;
	s4 =	sor.u32 s4, s5  }
0x154: {  	s6 =	sand.u32 $0xFFFFFF00, s6;
	s5 =	sand.u32 $0x70, s31;
	v2 =	vld [tilespmem:s4+$0x2780]  }
0x155: {  	v3 =	vld [tilespmem:s4+$0x2800];
	s4 =	sor.u32 s5, s6  }
0x156: {  	v4 =	vld [tilespmem:s4+$0x2780]  }
0x157: {  	s7 =	sadd.s32 $0xFFFFFFC0, s20;
	s8 =	sadd.s32 $0x70, s3;
	v5 =	vld [tilespmem:s4+$0x2800]  }
0x158: {  	s10 =	sand.u32 $0xFFFFFF00, s7;
	s9 =	sand.u32 $0x70, s8;
	v0 =	vld.idx.msk [tilespmem:v0+s2+$0x0], $0xffff  }
0x159: {  	s3 =	sadd.s32 $0x80, s3;
	s11 =	sadd.s32 $0xFFFFFFE0, s20;
	s5 =	sor.u32 s9, s10;
	v1 =	vld.idx.msk [tilespmem:v1+s2+$0x0], $0xffff  }
0x15a: {  	s3 =	sand.u32 $0x70, s3;
	s26 =	sand.u32 $0xFFFFFF00, s11;
	v6 =	vld [tilespmem:s5+$0x2780]  }
0x15b: {  	s3 =	sor.u32 s3, s26;
	v7 =	vld [tilespmem:s5+$0x2800]  }
0x15c: {  	v8 =	vld [tilespmem:s3+$0x2780]  }
0x15d: {  	v9 =	vld [tilespmem:s3+$0x2800]  }
0x15e: {  	v4 =	vld.idx.msk [tilespmem:v4+s2+$0x0], $0xffff;
	v0 =	vand.u32 $0xFFFF0000, v0;
	v1 =	vshll.u32 v1, $0x10  }
0x15f: {  	v1 =	vadd.f32 v1, v0;
	v0 =	vld.idx.msk [tilespmem:v2+s2+$0x0], $0xffff  }
0x160: {  	v2 =	vld.idx.msk [tilespmem:v3+s2+$0x0], $0xffff  }
0x161: {  	v5 =	vld.idx.msk [tilespmem:v5+s2+$0x0], $0xffff  }
0x162: {  	v3 =	vand.u32 $0x7FFFFFFF, v1  }
0x163: {  	s31 =	sadd.s32 $0x0, s19;
	v6 =	vld.idx.msk [tilespmem:v6+s2+$0x0], $0xffff;
	v3 =	vmul.f32 $-2.000000000e+00, v3  }
0x164: {  	s6 =	sadd.s32 $0x90, s31;
	s3 =	sadd.s32 $0xA0, s20;
	v7 =	vld.idx.msk [tilespmem:v7+s2+$0x0], $0xffff  }
0x165: {  	s5 =	sand.u32 $0x70, s6;
	s7 =	sand.u32 $0xFFFFFF00, s3;
	v8 =	vld.idx.msk [tilespmem:v8+s2+$0x0], $0xffff;
	v3 =	vmul.f32 $1.442695020e+00, v3;
	v0 =	vand.u32 $0xFFFF0000, v0;
	v2 =	vshll.u32 v2, $0x10  }
0x166: {  	s5 =	sor.u32 s5, s7;
	v9 =	vld.idx.msk [tilespmem:v9+s2+$0x0], $0xffff;
	v5 =	vshll.u32 v5, $0x10;
	v0 =	vadd.f32 v2, v0;
	v2 =	vand.u32 $0xFFFF0000, v4  }
0x167: {  	s8 =	sadd.s32 $0x50, s31;
	s9 =	sadd.s32 $0xFFFFFF80, s3;
	v4 =	vld [tilespmem:s5+$0x2800];
	(erf) = vpow2.f32 v3;
	v2 =	vadd.f32 v5, v2  }
0x168: {  	s6 =	sand.u32 $0xFFFFFF00, s9;
	v6 =	vand.u32 $0xFFFF0000, v6;
	v3 =	vld [tilespmem:s5+$0x2780];
	s5 =	sand.u32 $0x70, s8  }
0x169: {  	v7 =	vshll.u32 v7, $0x10;
	v5 =	vand.u32 $0x7FFFFFFF, v0;
	s5 =	sor.u32 s5, s6;
	v10 =	vand.u32 $0x7FFFFFFF, v2  }
0x16a: {  	s11 =	sadd.s32 $0xFFFFFFA0, s3;
	v6 =	vadd.f32 v7, v6;
	s8 =	sadd.s32 $0x60, s31;
	v5 =	vmul.f32 $-2.000000000e+00, v5;
	v7 =	vmul.f32 $-2.000000000e+00, v10;
	v10 =	vld [tilespmem:s5+$0x2780]  }
0x16b: {  	s7 =	sand.u32 $0xFFFFFF00, s11;
	s8 =	sand.u32 $0x70, s8  }
0x16c: {  	v12 =	vld [tilespmem:s5+$0x2800];
	s7 =	sor.u32 s8, s7;
	v5 =	vmul.f32 $1.442695020e+00, v5  }
0x16d: {  	v8 =	vand.u32 $0xFFFF0000, v8;
	v9 =	vshll.u32 v9, $0x10;
	v13 =	vld [tilespmem:s7+$0x2780]  }
0x16e: {  	s10 =	sadd.s32 $0x70, s31;
	s4 =	sadd.s32 $0x80, s31;
	v8 =	vadd.f32 v9, v8;
	s31 =	sadd.s32 $0xFFFFFFE0, s3;
	v14 =	vld [tilespmem:s7+$0x2800];
	v7 =	vmul.f32 $1.442695020e+00, v7;
	(erf) = vpow2.f32 v5  }
0x16f: {  	s4 =	sand.u32 $0x70, s4;
	v11 =	vand.u32 $0x7FFFFFFF, v6;
	s7 =	sand.u32 $0xFFFFFF00, s31;
	v4 =	vld.idx.msk [tilespmem:v4+s2+$0x0], $0xffff  }
0x170: {  	s26 =	sadd.s32 $0xFFFFFFC0, s3;
	v9 =	vmul.f32 $-2.000000000e+00, v11;
	s4 =	sor.u32 s4, s7;
	(erf) = vpow2.f32 v7;
	v7 =	vand.u32 $0x7FFFFFFF, v8;
	v3 =	vld.idx.msk [tilespmem:v3+s2+$0x0], $0xffff;
	v5 =	vpop (erf)  }
0x171: {  	s6 =	sand.u32 $0x70, s10;
	s5 =	sand.u32 $0xFFFFFF00, s26;
	v15 =	vld [tilespmem:s4+$0x2780];
	v7 =	vmul.f32 $-2.000000000e+00, v7;
	v11 =	vadd.f32 $1.000000000e+00, v5  }
0x172: {  	v9 =	vmul.f32 $1.442695020e+00, v9;
	vm1 =	vlt.f32 v2, $0.0e+00;
	s5 =	sor.u32 s6, s5;
	v2 =	vld.idx.msk [tilespmem:v10+s2+$0x0], $0xffff  }
0x173: {  	v7 =	vmul.f32 $1.442695020e+00, v7;
	(erf) = vrcp.f32 v11;
	v11 =	vld [tilespmem:s5+$0x2780]  }
0x174: {  	vm3 =	vlt.f32 v6, $0.0e+00;
	vm0 =	vlt.f32 v0, $0.0e+00;
	(erf) = vpow2.f32 v9;
	v9 =	vld [tilespmem:s5+$0x2800]  }
0x175: {  	v6 =	vld.idx.msk [tilespmem:v13+s2+$0x0], $0xffff;
	v0 =	vand.u32 $0xFFFF0000, v3;
	v3 =	vshll.u32 v4, $0x10;
	(erf) = vpow2.f32 v7  }
0x176: {  	v0 =	vadd.f32 v3, v0;
	v3 =	vld.idx.msk [tilespmem:v12+s2+$0x0], $0xffff  }
0x177: {  	vm4 =	vlt.f32 v8, $0.0e+00;
	vm3 =	vmmov vm3;
	vm2 =	vmmov vm0;
	v7 =	vld [tilespmem:s4+$0x2800];
	v4 =	vpop (erf)  }
0x178: {  	vm0 =	vmmov vm4;
	v13 =	vld.idx.msk [tilespmem:v14+s2+$0x0], $0xffff;
	v10 =	vsub.f32 $1.000000000e+00, v4;
	v4 =	vadd.f32 $1.000000000e+00, v4  }
0x179: {  	vm4 =	vlt.f32 v1, $0.0e+00;
	v5 =	vsub.f32 $1.000000000e+00, v5;
	s4 =	sadd.s32 $0x50, s19;
	v8 =	vand.u32 $0x7FFFFFFF, v0;
	v12 =	vpop (erf)  }
0x17a: {  	s3 =	sadd.s32 $0xA0, s3;
	v15 =	vld.idx.msk [tilespmem:v15+s2+$0x0], $0xffff;
	s8 =	sadd.s32 $0x90, s4;
	v8 =	vmul.f32 $-2.000000000e+00, v8;
	v14 =	vsub.f32 $1.000000000e+00, v12;
	v12 =	vadd.f32 $1.000000000e+00, v12  }
0x17b: {  	s9 =	sand.u32 $0xFFFFFF00, s3;
	s5 =	sand.u32 $0x70, s8;
	v2 =	vand.u32 $0xFFFF0000, v2;
	(erf) = vrcp.f32 v4;
	v3 =	vshll.u32 v3, $0x10;
	v11 =	vld.idx.msk [tilespmem:v11+s2+$0x0], $0xffff  }
0x17c: {  	s5 =	sor.u32 s5, s9;
	v8 =	vmul.f32 $1.442695020e+00, v8;
	(erf) = vrcp.f32 v12;
	v2 =	vadd.f32 v3, v2;
	v4 =	vpop (erf);
	v9 =	vld.idx.msk [tilespmem:v9+s2+$0x0], $0xffff  }
0x17d: {  	v1 =	vld [tilespmem:s5+$0x2800];
	v3 =	vand.u32 $0xFFFF0000, v6;
	v6 =	vshll.u32 v13, $0x10;
	v4 =	vmul.f32 v4, v5;
	v5 =	vpop (erf)  }
0x17e: {  	v17 =	vld [tilespmem:s5+$0x2780];
	v3 =	vadd.f32 v6, v3;
	(erf) = vpow2.f32 v8;
	v16 =	vadd.f32 $1.000000000e+00, v5;
	v12 =	vpop (erf)  }
0x17f: {  	vm1 =	vmmov vm1;
	v7 =	vld.idx.msk [tilespmem:v7+s2+$0x0], $0xffff;
	v8 =	vsub.f32 $0.0e+00, v4;
	v13 =	vadd.f32 $1.000000000e+00, v12  }
0x180: {  	v6 =	vand.u32 $0xFFFF0000, v11;
	(erf) = vrcp.f32 v16;
	v11 =	vand.u32 $0x7FFFFFFF, v3  }
0x181: {  	s11 =	sadd.s32 $0xFFFFFF80, s3;
	s10 =	sadd.s32 $0x50, s4;
	v8 =	vsel vm4, v8, v4;
	v4 =	vand.u32 $0x7FFFFFFF, v2;
	v9 =	vshll.u32 v9, $0x10  }
0x182: {  	s6 =	sand.u32 $0xFFFFFF00, s11;
	s5 =	sand.u32 $0x70, s10;
	v11 =	vmul.f32 $-2.000000000e+00, v11;
	v4 =	vmul.f32 $-2.000000000e+00, v4;
	v9 =	vadd.f32 v9, v6  }
0x183: {  	s5 =	sor.u32 s5, s6;
	vm6 =	vlt.f32 v2, $0.0e+00;
	(erf) = vrcp.f32 v13;
	v6 =	vand.u32 $0xFFFF0000, v15  }
0x184: {  	v16 =	vld [tilespmem:s5+$0x2780];
	v7 =	vshll.u32 v7, $0x10;
	v4 =	vmul.f32 $1.442695020e+00, v4;
	v18 =	vand.u32 $0x7FFFFFFF, v9  }
0x185: {  	s31 =	sadd.s32 $0xFFFFFFA0, s3;
	s26 =	sadd.s32 $0x60, s4;
	v5 =	vsub.f32 $1.000000000e+00, v5;
	v1 =	vld.idx.msk [tilespmem:v1+s2+$0x0], $0xffff;
	v15 =	vpop (erf);
	v19 =	vadd.f32 v7, v6;
	v7 =	vmul.f32 $-2.000000000e+00, v18  }
0x186: {  	s7 =	sand.u32 $0xFFFFFF00, s31;
	s6 =	sand.u32 $0x70, s26;
	vm7 =	vlt.f32 v3, $0.0e+00;
	v13 =	vld [tilespmem:s5+$0x2800];
	v6 =	vmul.f32 $1.442695020e+00, v11;
	v11 =	vpop (erf);
	(erf) = vpow2.f32 v4  }
0x187: {  	s8 =	sadd.s32 $0x70, s4;
	s9 =	sadd.s32 $0xFFFFFFC0, s3;
	v12 =	vsub.f32 $1.000000000e+00, v12;
	v17 =	vld.idx.msk [tilespmem:v17+s2+$0x0], $0xffff;
	s5 =	sor.u32 s6, s7;
	v18 =	vand.u32 $0x7FFFFFFF, v19;
	v63 =	vpop (erf);
	v4 =	vmul.f32 $1.442695020e+00, v7  }
0x188: {  	s10 =	sand.u32 $0x70, s8;
	s11 =	sand.u32 $0xFFFFFF00, s9;
	v2 =	vld [tilespmem:s5+$0x2780];
	v7 =	vmul.f32 $-2.000000000e+00, v18;
	v18 =	vadd.f32 $1.000000000e+00, v63;
	(erf) = vpow2.f32 v6  }
0x189: {  	s4 =	sadd.s32 $0x80, s4;
	s26 =	sadd.s32 $0xFFFFFFE0, s3;
	s6 =	sor.u32 s10, s11;
	v10 =	vmul.f32 v15, v10;
	v15 =	vld [tilespmem:s5+$0x2800];
	vm5 =	vlt.f32 v9, $0.0e+00;
	v14 =	vmul.f32 v11, v14  }
0x18a: {  	s4 =	sand.u32 $0x70, s4;
	s31 =	sand.u32 $0xFFFFFF00, s26;
	v1 =	vshll.u32 v1, $0x10;
	v6 =	vld [tilespmem:s6+$0x2800];
	v3 =	vmul.f32 $1.442695020e+00, v7;
	(erf) = vrcp.f32 v18;
	v11 =	vpop (erf)  }
0x18b: {  	s5 =	sor.u32 s4, s31;
	v7 =	vld [tilespmem:s6+$0x2780];
	(erf) = vpow2.f32 v4;
	v4 =	vsub.f32 $0.0e+00, v10;
	v9 =	vmul.f32 v11, v5  }
0x18c: {  	s4 =	simm.s32 $0x49A0;
	v5 =	vld [tilespmem:s5+$0x2780];
	v11 =	vand.u32 $0xFFFF0000, v17;
	(erf) = vpow2.f32 v3;
	v3 =	vsub.f32 $0.0e+00, v14  }
0x18d: {  	[tilespmem:s4+$0x20] =	vst v8;
	v1 =	vadd.f32 v1, v11;
	v18 =	vpop (erf);
	v11 =	vld.idx.msk [tilespmem:v16+s2+$0x0], $0xffff;
	v10 =	vsel vm2, v4, v10;
	v17 =	vsub.f32 $0.0e+00, v9  }
0x18e: {  	vm4 =	vlt.f32 v19, $0.0e+00;
	v4 =	vld [tilespmem:s5+$0x2800];
	v8 =	vsel vm1, v3, v14;
	v3 =	vmul.f32 v18, v12;
	[tilespmem:s4+$0xFFFFFFE0] =	vst v10  }
0x18f: {  	vm2 =	vmmov vm6;
	v10 =	vld.idx.msk [tilespmem:v13+s2+$0x0], $0xffff;
	vm1 =	vmmov vm7;
	v9 =	vsel vm3, v17, v9;
	[tilespmem:s4+$0xFFFFFFF0] =	vst v8;
	v12 =	vpop (erf)  }
0x190: {  	v13 =	vand.u32 $0x7FFFFFFF, v1;
	v8 =	vld.idx.msk [tilespmem:v2+s2+$0x0], $0xffff;
	[tilespmem:s4+$0x0] =	vst v9;
	v9 =	vsub.f32 $0.0e+00, v3;
	v16 =	vadd.f32 $1.000000000e+00, v12  }
0x191: {  	s5 =	simm.s32 $0xA0;
	v2 =	vsub.f32 $1.000000000e+00, v12;
	v12 =	vld.idx.msk [tilespmem:v15+s2+$0x0], $0xffff;
	v15 =	vmul.f32 $-2.000000000e+00, v13;
	v13 =	vsub.f32 $1.000000000e+00, v63;
	v14 =	vpop (erf)  }
.LBB2_6:
0x192: {  	v17 =	vsub.f32 $1.000000000e+00, v14;
	v18 =	vadd.f32 $1.000000000e+00, v14;
	(erf) = vrcp.f32 v16  }
0x193: {  	s6 =	sadd.s32 s5, s19;
	v7 =	vld.idx.msk [tilespmem:v7+s2+$0x0], $0xffff;
	v16 =	vpop (erf);
	vm3 =	vmmov vm5;
	vm5 =	vmmov vm0;
	vm0 =	vmmov vm4  }
0x194: {  	s5 =	sadd.s32 $0x50, s5;
	s3 =	sadd.s32 $0xA0, s3;
	s7 =	sadd.s32 $0x90, s6;
	v6 =	vld.idx.msk [tilespmem:v6+s2+$0x0], $0xffff;
	v15 =	vmul.f32 $1.442695020e+00, v15;
	v13 =	vmul.f32 v16, v13;
	v16 =	vpop (erf);
	v3 =	vsel vm5, v9, v3  }
0x195: {  	s8 =	sand.u32 $0xFFFFFF00, s3;
	p0 =	slt.u32 s5, $0x780;
	v9 =	vand.u32 $0xFFFF0000, v11;
	s7 =	sand.u32 $0x70, s7;
	v5 =	vld.idx.msk [tilespmem:v5+s2+$0x0], $0xffff;
	v11 =	vadd.f32 $1.000000000e+00, v16;
	(erf) = vrcp.f32 v18;
	v14 =	vpop (erf);
	[tilespmem:s4+$0x10] =	vst v3  }
0x196: {  	s9 =	sadd.s32 $0x50, s6;
	s10 =	sadd.s32 $0x60, s6;
	v3 =	vshll.u32 v10, $0x10;
	s7 =	sor.u32 s7, s8;
	v4 =	vld.idx.msk [tilespmem:v4+s2+$0x0], $0xffff;
	(erf) = vpow2.f32 v15;
	v10 =	vsub.f32 $0.0e+00, v13  }
0x197: {  	vm4 =	vlt.f32 v0, $0.0e+00;
	v0 =	vmovc v1;
	s11 =	sadd.s32 $0x70, s6;
	s6 =	sadd.s32 $0x80, s6;
	s8 =	sadd.s32 $0xFFFFFF80, s3;
	v3 =	vadd.f32 v3, v9;
	v8 =	vand.u32 $0xFFFF0000, v8;
	v15 =	vld [tilespmem:s7+$0x2780]  }
0x198: {  	s26 =	sadd.s32 $0xFFFFFFA0, s3;
	s31 =	sadd.s32 $0xFFFFFFC0, s3;
	s4 =	sadd.s32 $0x50, s4;
	v9 =	vshll.u32 v12, $0x10;
	v12 =	vadd.f32 $1.000000000e+00, v14;
	v1 =	vld [tilespmem:s7+$0x2800];
	v10 =	vsel vm4, v10, v13  }
0x199: {  	s7 =	sand.u32 $0x70, s9;
	s9 =	sand.u32 $0x70, s10;
	s10 =	sadd.s32 $0xFFFFFFE0, s3;
	v13 =	vand.u32 $0x7FFFFFFF, v3;
	v8 =	vadd.f32 v9, v8;
	v7 =	vand.u32 $0xFFFF0000, v7;
	[tilespmem:s4+$0x20] =	vst v10  }
0x19a: {  	s11 =	sand.u32 $0x70, s11;
	s6 =	sand.u32 $0x70, s6;
	s8 =	sand.u32 $0xFFFFFF00, s8;
	v13 =	vmul.f32 $-2.000000000e+00, v13;
	v6 =	vshll.u32 v6, $0x10;
	(erf) = vrcp.f32 v11  }
0x19b: {  	s26 =	sand.u32 $0xFFFFFF00, s26;
	s31 =	sand.u32 $0xFFFFFF00, s31;
	s10 =	sand.u32 $0xFFFFFF00, s10;
	v10 =	vand.u32 $0x7FFFFFFF, v8;
	v11 =	vadd.f32 v6, v7;
	v5 =	vand.u32 $0xFFFF0000, v5  }
0x19c: {  	s7 =	sor.u32 s7, s8;
	s8 =	sor.u32 s9, s26;
	s9 =	sor.u32 s11, s31;
	v6 =	vmul.f32 $1.442695020e+00, v13;
	v7 =	vmul.f32 $-2.000000000e+00, v10;
	v4 =	vshll.u32 v4, $0x10;
	v9 =	vpop (erf)  }
0x19d: {  	s6 =	sor.u32 s6, s10;
	v13 =	vand.u32 $0x7FFFFFFF, v11;
	v4 =	vadd.f32 v4, v5;
	v10 =	vld [tilespmem:s7+$0x2780];
	(erf) = vrcp.f32 v12  }
0x19e: {  	v5 =	vmul.f32 $1.442695020e+00, v7;
	v7 =	vmul.f32 $-2.000000000e+00, v13;
	v13 =	vsub.f32 $1.000000000e+00, v16;
	v12 =	vld [tilespmem:s7+$0x2800];
	v16 =	vpop (erf)  }
0x19f: {  	v14 =	vsub.f32 $1.000000000e+00, v14;
	v18 =	vand.u32 $0x7FFFFFFF, v4;
	v15 =	vld.idx.msk [tilespmem:v15+s2+$0x0], $0xffff;
	(erf) = vpow2.f32 v6;
	v19 =	vpop (erf)  }
0x1a0: {  	v6 =	vmul.f32 $1.442695020e+00, v7;
	v7 =	vmul.f32 $-2.000000000e+00, v18;
	v1 =	vld.idx.msk [tilespmem:v1+s2+$0x0], $0xffff;
	v18 =	vadd.f32 $1.000000000e+00, v19  }
0x1a1: {  	vm6 =	vlt.f32 v3, $0.0e+00;
	v2 =	vmul.f32 v9, v2;
	v20 =	vld [tilespmem:s8+$0x2780];
	(erf) = vpow2.f32 v5  }
0x1a2: {  	vm7 =	vlt.f32 v8, $0.0e+00;
	v3 =	vmul.f32 $1.442695020e+00, v7;
	v9 =	vld [tilespmem:s8+$0x2800];
	(erf) = vrcp.f32 v18  }
0x1a3: {  	v8 =	vsub.f32 $0.0e+00, v2;
	v16 =	vmul.f32 v16, v17;
	v7 =	vld [tilespmem:s9+$0x2780];
	(erf) = vpow2.f32 v6;
	v5 =	vpop (erf)  }
0x1a4: {  	vm5 =	vlt.f32 v11, $0.0e+00;
	v6 =	vld [tilespmem:s9+$0x2800];
	(erf) = vpow2.f32 v3;
	v13 =	vmul.f32 v5, v13  }
0x1a5: {  	vm4 =	vlt.f32 v4, $0.0e+00;
	v2 =	vsel vm2, v8, v2;
	v3 =	vsub.f32 $0.0e+00, v16;
	v5 =	vld [tilespmem:s6+$0x2780]  }
.Ltmp2:
0x1a6: {  	v8 =	vand.u32 $0xFFFF0000, v15;
	v1 =	vshll.u32 v1, $0x10;
	v4 =	vld [tilespmem:s6+$0x2800];
	[tilespmem:s4+$0xFFFFFFE0] =	vst v2;
	v2 =	vsub.f32 $0.0e+00, v13;
	v15 =	vpop (erf);
	(pc) =	sbr.rel @p0 .LBB2_6-.Ltmp2, $4  }
0x1a7: {  	v1 =	vadd.f32 v1, v8;
	v8 =	vsel vm1, v3, v16;
	v11 =	vld.idx.msk [tilespmem:v10+s2+$0x0], $0xffff;
	v3 =	vmul.f32 v15, v14  }
0x1a8: {  	vm2 =	vmmov vm6;
	vm1 =	vmmov vm7;
	v10 =	vld.idx.msk [tilespmem:v12+s2+$0x0], $0xffff;
	v12 =	vpop (erf);
	[tilespmem:s4+$0xFFFFFFF0] =	vst v8;
	v13 =	vsel vm3, v2, v13  }
0x1a9: {  	v17 =	vand.u32 $0x7FFFFFFF, v1;
	v8 =	vld.idx.msk [tilespmem:v20+s2+$0x0], $0xffff;
	v2 =	vsub.f32 $1.000000000e+00, v12;
	v16 =	vadd.f32 $1.000000000e+00, v12;
	[tilespmem:s4+$0x0] =	vst v13  }
0x1aa: {  	v15 =	vmul.f32 $-2.000000000e+00, v17;
	v13 =	vsub.f32 $1.000000000e+00, v19;
	v12 =	vld.idx.msk [tilespmem:v9+s2+$0x0], $0xffff;
	v14 =	vpop (erf);
	v9 =	vsub.f32 $0.0e+00, v3  }
0x1ab: {  	_ =	sdelay $0x3  }
0x1ac: {  	v17 =	vadd.f32 $1.000000000e+00, v14;
	v7 =	vld.idx.msk [tilespmem:v7+s2+$0x0], $0xffff;
	v15 =	vmul.f32 $1.442695020e+00, v15  }
0x1ad: {  	(erf) = vrcp.f32 v16;
	v6 =	vld.idx.msk [tilespmem:v6+s2+$0x0], $0xffff  }
0x1ae: {  	v5 =	vld.idx.msk [tilespmem:v5+s2+$0x0], $0xffff;
	(erf) = vrcp.f32 v17  }
0x1af: {  	v4 =	vld.idx.msk [tilespmem:v4+s2+$0x0], $0xffff;
	(erf) = vpow2.f32 v15  }
0x1b0: {  	v11 =	vand.u32 $0xFFFF0000, v11;
	v10 =	vshll.u32 v10, $0x10;
	v15 =	vpop (erf)  }
0x1b1: {  	v10 =	vadd.f32 v10, v11;
	v8 =	vand.u32 $0xFFFF0000, v8;
	v11 =	vshll.u32 v12, $0x10;
	v16 =	vpop (erf)  }
0x1b2: {  	v8 =	vadd.f32 v11, v8;
	v12 =	vadd.f32 $1.000000000e+00, v16;
	v17 =	vpop (erf)  }
0x1b3: {  	v18 =	vand.u32 $0x7FFFFFFF, v10;
	v7 =	vand.u32 $0xFFFF0000, v7;
	v11 =	vadd.f32 $1.000000000e+00, v17  }
0x1b4: {  	v6 =	vshll.u32 v6, $0x10;
	v5 =	vand.u32 $0xFFFF0000, v5;
	v4 =	vshll.u32 v4, $0x10  }
0x1b5: {  	v18 =	vmul.f32 $-2.000000000e+00, v18;
	v6 =	vadd.f32 v6, v7;
	v19 =	vand.u32 $0x7FFFFFFF, v8  }
0x1b6: {  	v4 =	vadd.f32 v4, v5;
	v7 =	vmul.f32 $-2.000000000e+00, v19;
	(erf) = vrcp.f32 v12;
	v12 =	vpop (erf)  }
0x1b7: {  	v5 =	vmul.f32 $1.442695020e+00, v18;
	v18 =	vand.u32 $0x7FFFFFFF, v6;
	(erf) = vrcp.f32 v11;
	v11 =	vpop (erf)  }
0x1b8: {  	v19 =	vand.u32 $0x7FFFFFFF, v4;
	v18 =	vmul.f32 $-2.000000000e+00, v18;
	v7 =	vmul.f32 $1.442695020e+00, v7;
	v20 =	vpop (erf)  }
0x1b9: {  	(erf) = vpow2.f32 v5;
	v5 =	vmul.f32 $-2.000000000e+00, v19;
	v19 =	vadd.f32 $1.000000000e+00, v20  }
0x1ba: {  	v18 =	vmul.f32 $1.442695020e+00, v18;
	(erf) = vpow2.f32 v7  }
0x1bb: {  	v5 =	vmul.f32 $1.442695020e+00, v5;
	(erf) = vrcp.f32 v19  }
0x1bc: {  	(erf) = vpow2.f32 v18  }
0x1bd: {  	(erf) = vpow2.f32 v5;
	_ =	sdelay $0x1  }
0x1be: {  	v7 =	vmul.f32 v15, v13  }
0x1bf: {  	v5 =	vpop (erf)  }
0x1c0: {  	v18 =	vsub.f32 $0.0e+00, v7;
	v13 =	vpop (erf)  }
0x1c1: {  	v14 =	vsub.f32 $1.000000000e+00, v14;
	v15 =	vpop (erf)  }
0x1c2: {  	vm5 =	vmmov vm5;
	vm0 =	vmmov vm0;
	v19 =	vpop (erf)  }
0x1c3: {  	v3 =	vsel vm0, v9, v3;
	vm0 =	vlt.f32 v0, $0.0e+00;
	v0 =	vadd.f32 $1.000000000e+00, v15;
	v9 =	vpop (erf)  }
0x1c4: {  	v2 =	vmul.f32 v12, v2;
	v7 =	vsel vm0, v18, v7;
	v12 =	vadd.f32 $1.000000000e+00, v19;
	v18 =	vpop (erf)  }
0x1c5: {  	v11 =	vmul.f32 v11, v14;
	(erf) = vrcp.f32 v0;
	v0 =	vadd.f32 $1.000000000e+00, v18;
	v14 =	vpop (erf)  }
0x1c6: {  	v16 =	vsub.f32 $1.000000000e+00, v16;
	(erf) = vrcp.f32 v12;
	v12 =	vadd.f32 $1.000000000e+00, v14  }
0x1c7: {  	vm7 =	vlt.f32 v8, $0.0e+00;
	v17 =	vsub.f32 $1.000000000e+00, v17;
	(erf) = vrcp.f32 v0  }
0x1c8: {  	vm3 =	vlt.f32 v6, $0.0e+00;
	v0 =	vmul.f32 v5, v16;
	(erf) = vrcp.f32 v12  }
0x1c9: {  	v8 =	vsub.f32 $0.0e+00, v11;
	v6 =	vmul.f32 v13, v17;
	v5 =	vsub.f32 $0.0e+00, v2  }
0x1ca: {  	vm4 =	vmmov vm4;
	vm0 =	vlt.f32 v4, $0.0e+00;
	v4 =	vsub.f32 $0.0e+00, v0  }
0x1cb: {  	v2 =	vsel vm2, v5, v2;
	v5 =	vsel vm1, v8, v11;
	v8 =	vsub.f32 $0.0e+00, v6  }
0x1cc: {  	s3 =	sadd.s32 $0x50, s4;
	vm4 =	vmmov vm4;
	[tilespmem:s4+$0x10] =	vst v3;
	v0 =	vsel vm5, v4, v0;
	v4 =	vsub.f32 $1.000000000e+00, v20  }
0x1cd: {  	v3 =	vsub.f32 $1.000000000e+00, v15;
	[tilespmem:s3+$0xFFFFFFE0] =	vst v2;
	v2 =	vsel vm4, v8, v6;
	v6 =	vsub.f32 $1.000000000e+00, v18  }
0x1ce: {  	vm6 =	vlt.f32 v10, $0.0e+00;
	[tilespmem:s3+$0x20] =	vst v7;
	v7 =	vsub.f32 $1.000000000e+00, v19;
	v4 =	vmul.f32 v9, v4;
	v9 =	vpop (erf)  }
0x1cf: {  	vm3 =	vmmov vm3;
	vm1 =	vmmov vm6;
	v8 =	vpop (erf);
	v3 =	vmul.f32 v9, v3  }
0x1d0: {  	[tilespmem:s3+$0xFFFFFFF0] =	vst v5;
	v9 =	vsub.f32 $1.000000000e+00, v14;
	v5 =	vsub.f32 $0.0e+00, v4;
	v7 =	vmul.f32 v8, v7;
	v8 =	vpop (erf)  }
0x1d1: {  	vm4 =	vlt.f32 v1, $0.0e+00;
	[tilespmem:s3+$0x0] =	vst v0;
	v0 =	vsub.f32 $0.0e+00, v3;
	v1 =	vmul.f32 v8, v6;
	v6 =	vpop (erf)  }
0x1d2: {  	[tilespmem:s3+$0x10] =	vst v2;
	s3 =	sadd.s32 $0x50, s3;
	v2 =	vsel vm4, v5, v4;
	v4 =	vsub.f32 $0.0e+00, v7;
	v5 =	vmul.f32 v6, v9  }
0x1d3: {  	vm2 =	vmmov vm7;
	[tilespmem:s3+$0x20] =	vst v2;
	v0 =	vsel vm1, v0, v3;
	v2 =	vsub.f32 $0.0e+00, v1  }
0x1d4: {  	vm0 =	vmmov vm0;
	[tilespmem:s3+$0xFFFFFFE0] =	vst v0;
	v0 =	vsel vm2, v4, v7;
	v3 =	vsub.f32 $0.0e+00, v5  }
0x1d5: {  	vm0 =	vmmov vm0;
	[tilespmem:s3+$0xFFFFFFF0] =	vst v0;
	v0 =	vsel vm3, v2, v1  }
0x1d6: {  	[tilespmem:s3+$0x0] =	vst v0;
	v0 =	vsel vm0, v3, v5  }
0x1d7: {  	[tilespmem:s3+$0x10] =	vst v0  }
0x1d8: {  	s3 =	rddreg [dreg:$0xb]  }
0x1d9: {  	[hbm4b:s3+s2] =	stream.linear.scatter [tilespmem:s30], [sflag:$0x3], $0x7D0, $0x38;
	[tilespmem:$0x5980] =	vst v63  }
0x1da: {  	s9 =	rddreg [dreg:$0xc]  }
0x1db: {  	[tilespmem:s25], [sflag:$0x2] =	stream.linear.gather [hbm4b:s9+s2], $0x1100, $0x38;
	[tilespmem:$0x5980] =	vst v63  }
0x1dc: {  	_ =	swait.ge [sflag:s29], $0x1100  }
0x1dd: {  	[sflag:s29] =	ssyncset.done $0x0  }
0x1de: {  	s3 =	sadd.s32 $0xFFFFFFB0, s21;
	[sflag:s29] =	ssyncadd.s32 $0xFFFFEF00  }
0x1df: {  	s10 =	sadd.s32 $0x90, s3;
	_ =	swait.ge [sflag:s1], $0x7D0  }
0x1e0: {  	s5 =	sand.u32 $0xFFFFFF00, s22;
	s4 =	sand.u32 $0x70, s10;
	[sflag:s1] =	ssyncset.done $0x0  }
0x1e1: {  	s4 =	sor.u32 s4, s5;
	[sflag:s1] =	ssyncadd.s32 $0xFFFFF830  }
0x1e2: {  	v0 =	vld [tilespmem:s4+$0x3880]  }
0x1e3: {  	s26 =	sadd.s32 $0xFFFFFF80, s22;
	s11 =	sadd.s32 $0x50, s3;
	v1 =	vld [tilespmem:s4+$0x3900]  }
0x1e4: {  	s5 =	sand.u32 $0xFFFFFF00, s26;
	s4 =	sand.u32 $0x70, s11  }
0x1e5: {  	s6 =	sadd.s32 $0xFFFFFFA0, s22;
	s31 =	sadd.s32 $0x60, s3;
	s4 =	sor.u32 s4, s5  }
0x1e6: {  	s6 =	sand.u32 $0xFFFFFF00, s6;
	s5 =	sand.u32 $0x70, s31;
	v2 =	vld [tilespmem:s4+$0x3880]  }
0x1e7: {  	v3 =	vld [tilespmem:s4+$0x3900];
	s4 =	sor.u32 s5, s6  }
0x1e8: {  	v4 =	vld [tilespmem:s4+$0x3880]  }
0x1e9: {  	s7 =	sadd.s32 $0xFFFFFFC0, s22;
	s8 =	sadd.s32 $0x70, s3;
	v5 =	vld [tilespmem:s4+$0x3900]  }
0x1ea: {  	s9 =	sand.u32 $0x70, s8;
	s10 =	sand.u32 $0xFFFFFF00, s7;
	v0 =	vld.idx.msk [tilespmem:v0+s2+$0x0], $0xffff  }
0x1eb: {  	s3 =	sadd.s32 $0x80, s3;
	s11 =	sadd.s32 $0xFFFFFFE0, s22;
	s5 =	sor.u32 s9, s10;
	v1 =	vld.idx.msk [tilespmem:v1+s2+$0x0], $0xffff  }
0x1ec: {  	s3 =	sand.u32 $0x70, s3;
	s26 =	sand.u32 $0xFFFFFF00, s11;
	v6 =	vld [tilespmem:s5+$0x3880]  }
0x1ed: {  	s3 =	sor.u32 s3, s26;
	v7 =	vld [tilespmem:s5+$0x3900]  }
0x1ee: {  	v8 =	vld [tilespmem:s3+$0x3880]  }
0x1ef: {  	v9 =	vld [tilespmem:s3+$0x3900]  }
0x1f0: {  	v4 =	vld.idx.msk [tilespmem:v4+s2+$0x0], $0xffff;
	v0 =	vand.u32 $0xFFFF0000, v0;
	v1 =	vshll.u32 v1, $0x10  }
0x1f1: {  	v1 =	vadd.f32 v1, v0;
	v0 =	vld.idx.msk [tilespmem:v2+s2+$0x0], $0xffff  }
0x1f2: {  	v2 =	vld.idx.msk [tilespmem:v3+s2+$0x0], $0xffff  }
0x1f3: {  	v5 =	vld.idx.msk [tilespmem:v5+s2+$0x0], $0xffff  }
0x1f4: {  	v3 =	vand.u32 $0x7FFFFFFF, v1  }
0x1f5: {  	s31 =	sadd.s32 $0x0, s21;
	v6 =	vld.idx.msk [tilespmem:v6+s2+$0x0], $0xffff;
	v3 =	vmul.f32 $-2.000000000e+00, v3  }
0x1f6: {  	s6 =	sadd.s32 $0x90, s31;
	s3 =	sadd.s32 $0xA0, s22;
	v7 =	vld.idx.msk [tilespmem:v7+s2+$0x0], $0xffff  }
0x1f7: {  	s5 =	sand.u32 $0x70, s6;
	s7 =	sand.u32 $0xFFFFFF00, s3;
	v8 =	vld.idx.msk [tilespmem:v8+s2+$0x0], $0xffff;
	v3 =	vmul.f32 $1.442695020e+00, v3;
	v0 =	vand.u32 $0xFFFF0000, v0;
	v2 =	vshll.u32 v2, $0x10  }
0x1f8: {  	s5 =	sor.u32 s5, s7;
	v9 =	vld.idx.msk [tilespmem:v9+s2+$0x0], $0xffff;
	v5 =	vshll.u32 v5, $0x10;
	v0 =	vadd.f32 v2, v0;
	v2 =	vand.u32 $0xFFFF0000, v4  }
0x1f9: {  	s8 =	sadd.s32 $0x50, s31;
	s9 =	sadd.s32 $0xFFFFFF80, s3;
	v4 =	vld [tilespmem:s5+$0x3900];
	(erf) = vpow2.f32 v3;
	v2 =	vadd.f32 v5, v2  }
0x1fa: {  	s6 =	sand.u32 $0xFFFFFF00, s9;
	v6 =	vand.u32 $0xFFFF0000, v6;
	v3 =	vld [tilespmem:s5+$0x3880];
	s5 =	sand.u32 $0x70, s8  }
0x1fb: {  	v7 =	vshll.u32 v7, $0x10;
	v5 =	vand.u32 $0x7FFFFFFF, v0;
	s5 =	sor.u32 s5, s6;
	v10 =	vand.u32 $0x7FFFFFFF, v2  }
0x1fc: {  	s11 =	sadd.s32 $0xFFFFFFA0, s3;
	v6 =	vadd.f32 v7, v6;
	s8 =	sadd.s32 $0x60, s31;
	v5 =	vmul.f32 $-2.000000000e+00, v5;
	v7 =	vmul.f32 $-2.000000000e+00, v10;
	v10 =	vld [tilespmem:s5+$0x3880]  }
0x1fd: {  	s7 =	sand.u32 $0xFFFFFF00, s11;
	s8 =	sand.u32 $0x70, s8  }
0x1fe: {  	v12 =	vld [tilespmem:s5+$0x3900];
	s7 =	sor.u32 s8, s7;
	v5 =	vmul.f32 $1.442695020e+00, v5  }
0x1ff: {  	v8 =	vand.u32 $0xFFFF0000, v8;
	v9 =	vshll.u32 v9, $0x10;
	v13 =	vld [tilespmem:s7+$0x3880]  }
0x200: {  	s10 =	sadd.s32 $0x70, s31;
	s4 =	sadd.s32 $0x80, s31;
	v8 =	vadd.f32 v9, v8;
	s31 =	sadd.s32 $0xFFFFFFE0, s3;
	v14 =	vld [tilespmem:s7+$0x3900];
	v7 =	vmul.f32 $1.442695020e+00, v7;
	(erf) = vpow2.f32 v5  }
0x201: {  	s4 =	sand.u32 $0x70, s4;
	v11 =	vand.u32 $0x7FFFFFFF, v6;
	s7 =	sand.u32 $0xFFFFFF00, s31;
	v4 =	vld.idx.msk [tilespmem:v4+s2+$0x0], $0xffff  }
0x202: {  	s26 =	sadd.s32 $0xFFFFFFC0, s3;
	v9 =	vmul.f32 $-2.000000000e+00, v11;
	s4 =	sor.u32 s4, s7;
	(erf) = vpow2.f32 v7;
	v7 =	vand.u32 $0x7FFFFFFF, v8;
	v3 =	vld.idx.msk [tilespmem:v3+s2+$0x0], $0xffff;
	v5 =	vpop (erf)  }
0x203: {  	s6 =	sand.u32 $0x70, s10;
	s5 =	sand.u32 $0xFFFFFF00, s26;
	v15 =	vld [tilespmem:s4+$0x3880];
	v7 =	vmul.f32 $-2.000000000e+00, v7;
	v11 =	vadd.f32 $1.000000000e+00, v5  }
0x204: {  	v9 =	vmul.f32 $1.442695020e+00, v9;
	vm1 =	vlt.f32 v2, $0.0e+00;
	s5 =	sor.u32 s6, s5;
	v2 =	vld.idx.msk [tilespmem:v10+s2+$0x0], $0xffff  }
0x205: {  	v7 =	vmul.f32 $1.442695020e+00, v7;
	(erf) = vrcp.f32 v11;
	v11 =	vld [tilespmem:s5+$0x3880]  }
0x206: {  	vm3 =	vlt.f32 v6, $0.0e+00;
	vm0 =	vlt.f32 v0, $0.0e+00;
	(erf) = vpow2.f32 v9;
	v9 =	vld [tilespmem:s5+$0x3900]  }
0x207: {  	v6 =	vld.idx.msk [tilespmem:v13+s2+$0x0], $0xffff;
	v0 =	vand.u32 $0xFFFF0000, v3;
	v3 =	vshll.u32 v4, $0x10;
	(erf) = vpow2.f32 v7  }
0x208: {  	v0 =	vadd.f32 v3, v0;
	v3 =	vld.idx.msk [tilespmem:v12+s2+$0x0], $0xffff  }
0x209: {  	vm4 =	vlt.f32 v8, $0.0e+00;
	vm3 =	vmmov vm3;
	vm2 =	vmmov vm0;
	v7 =	vld [tilespmem:s4+$0x3900];
	v4 =	vpop (erf)  }
0x20a: {  	vm0 =	vmmov vm4;
	v13 =	vld.idx.msk [tilespmem:v14+s2+$0x0], $0xffff;
	v10 =	vsub.f32 $1.000000000e+00, v4;
	v4 =	vadd.f32 $1.000000000e+00, v4  }
0x20b: {  	vm4 =	vlt.f32 v1, $0.0e+00;
	v5 =	vsub.f32 $1.000000000e+00, v5;
	s4 =	sadd.s32 $0x50, s21;
	v8 =	vand.u32 $0x7FFFFFFF, v0;
	v12 =	vpop (erf)  }
0x20c: {  	s3 =	sadd.s32 $0xA0, s3;
	v15 =	vld.idx.msk [tilespmem:v15+s2+$0x0], $0xffff;
	s8 =	sadd.s32 $0x90, s4;
	v8 =	vmul.f32 $-2.000000000e+00, v8;
	v14 =	vsub.f32 $1.000000000e+00, v12;
	v12 =	vadd.f32 $1.000000000e+00, v12  }
0x20d: {  	s9 =	sand.u32 $0xFFFFFF00, s3;
	s5 =	sand.u32 $0x70, s8;
	v2 =	vand.u32 $0xFFFF0000, v2;
	(erf) = vrcp.f32 v4;
	v3 =	vshll.u32 v3, $0x10;
	v11 =	vld.idx.msk [tilespmem:v11+s2+$0x0], $0xffff  }
0x20e: {  	s5 =	sor.u32 s5, s9;
	v8 =	vmul.f32 $1.442695020e+00, v8;
	(erf) = vrcp.f32 v12;
	v2 =	vadd.f32 v3, v2;
	v4 =	vpop (erf);
	v9 =	vld.idx.msk [tilespmem:v9+s2+$0x0], $0xffff  }
0x20f: {  	v1 =	vld [tilespmem:s5+$0x3900];
	v3 =	vand.u32 $0xFFFF0000, v6;
	v6 =	vshll.u32 v13, $0x10;
	v4 =	vmul.f32 v4, v5;
	v5 =	vpop (erf)  }
0x210: {  	v17 =	vld [tilespmem:s5+$0x3880];
	v3 =	vadd.f32 v6, v3;
	(erf) = vpow2.f32 v8;
	v16 =	vadd.f32 $1.000000000e+00, v5;
	v12 =	vpop (erf)  }
0x211: {  	vm1 =	vmmov vm1;
	v7 =	vld.idx.msk [tilespmem:v7+s2+$0x0], $0xffff;
	v8 =	vsub.f32 $0.0e+00, v4;
	v13 =	vadd.f32 $1.000000000e+00, v12  }
0x212: {  	v6 =	vand.u32 $0xFFFF0000, v11;
	(erf) = vrcp.f32 v16;
	v11 =	vand.u32 $0x7FFFFFFF, v3  }
0x213: {  	s11 =	sadd.s32 $0xFFFFFF80, s3;
	s10 =	sadd.s32 $0x50, s4;
	v8 =	vsel vm4, v8, v4;
	v4 =	vand.u32 $0x7FFFFFFF, v2;
	v9 =	vshll.u32 v9, $0x10  }
0x214: {  	s6 =	sand.u32 $0xFFFFFF00, s11;
	s5 =	sand.u32 $0x70, s10;
	v11 =	vmul.f32 $-2.000000000e+00, v11;
	v4 =	vmul.f32 $-2.000000000e+00, v4;
	v9 =	vadd.f32 v9, v6  }
0x215: {  	s5 =	sor.u32 s5, s6;
	vm6 =	vlt.f32 v2, $0.0e+00;
	(erf) = vrcp.f32 v13;
	v6 =	vand.u32 $0xFFFF0000, v15  }
0x216: {  	v16 =	vld [tilespmem:s5+$0x3880];
	v7 =	vshll.u32 v7, $0x10;
	v4 =	vmul.f32 $1.442695020e+00, v4;
	v18 =	vand.u32 $0x7FFFFFFF, v9  }
0x217: {  	s31 =	sadd.s32 $0xFFFFFFA0, s3;
	s26 =	sadd.s32 $0x60, s4;
	v5 =	vsub.f32 $1.000000000e+00, v5;
	v1 =	vld.idx.msk [tilespmem:v1+s2+$0x0], $0xffff;
	v15 =	vpop (erf);
	v19 =	vadd.f32 v7, v6;
	v7 =	vmul.f32 $-2.000000000e+00, v18  }
0x218: {  	s7 =	sand.u32 $0xFFFFFF00, s31;
	s6 =	sand.u32 $0x70, s26;
	vm7 =	vlt.f32 v3, $0.0e+00;
	v13 =	vld [tilespmem:s5+$0x3900];
	v6 =	vmul.f32 $1.442695020e+00, v11;
	v11 =	vpop (erf);
	(erf) = vpow2.f32 v4  }
0x219: {  	s8 =	sadd.s32 $0x70, s4;
	s9 =	sadd.s32 $0xFFFFFFC0, s3;
	v12 =	vsub.f32 $1.000000000e+00, v12;
	v17 =	vld.idx.msk [tilespmem:v17+s2+$0x0], $0xffff;
	s5 =	sor.u32 s6, s7;
	v18 =	vand.u32 $0x7FFFFFFF, v19;
	v63 =	vpop (erf);
	v4 =	vmul.f32 $1.442695020e+00, v7  }
0x21a: {  	s10 =	sand.u32 $0x70, s8;
	s11 =	sand.u32 $0xFFFFFF00, s9;
	v2 =	vld [tilespmem:s5+$0x3880];
	v7 =	vmul.f32 $-2.000000000e+00, v18;
	v18 =	vadd.f32 $1.000000000e+00, v63;
	(erf) = vpow2.f32 v6  }
0x21b: {  	s4 =	sadd.s32 $0x80, s4;
	s26 =	sadd.s32 $0xFFFFFFE0, s3;
	s6 =	sor.u32 s10, s11;
	v10 =	vmul.f32 v15, v10;
	v15 =	vld [tilespmem:s5+$0x3900];
	vm5 =	vlt.f32 v9, $0.0e+00;
	v14 =	vmul.f32 v11, v14  }
0x21c: {  	s4 =	sand.u32 $0x70, s4;
	s31 =	sand.u32 $0xFFFFFF00, s26;
	v1 =	vshll.u32 v1, $0x10;
	v6 =	vld [tilespmem:s6+$0x3900];
	v3 =	vmul.f32 $1.442695020e+00, v7;
	(erf) = vrcp.f32 v18;
	v11 =	vpop (erf)  }
0x21d: {  	s5 =	sor.u32 s4, s31;
	v7 =	vld [tilespmem:s6+$0x3880];
	(erf) = vpow2.f32 v4;
	v4 =	vsub.f32 $0.0e+00, v10;
	v9 =	vmul.f32 v11, v5  }
0x21e: {  	s4 =	simm.s32 $0x51A0;
	v5 =	vld [tilespmem:s5+$0x3880];
	v11 =	vand.u32 $0xFFFF0000, v17;
	(erf) = vpow2.f32 v3;
	v3 =	vsub.f32 $0.0e+00, v14  }
0x21f: {  	[tilespmem:s4+$0x20] =	vst v8;
	v1 =	vadd.f32 v1, v11;
	v18 =	vpop (erf);
	v11 =	vld.idx.msk [tilespmem:v16+s2+$0x0], $0xffff;
	v10 =	vsel vm2, v4, v10;
	v17 =	vsub.f32 $0.0e+00, v9  }
0x220: {  	vm4 =	vlt.f32 v19, $0.0e+00;
	v4 =	vld [tilespmem:s5+$0x3900];
	v8 =	vsel vm1, v3, v14;
	v3 =	vmul.f32 v18, v12;
	[tilespmem:s4+$0xFFFFFFE0] =	vst v10  }
0x221: {  	vm2 =	vmmov vm6;
	v10 =	vld.idx.msk [tilespmem:v13+s2+$0x0], $0xffff;
	vm1 =	vmmov vm7;
	v9 =	vsel vm3, v17, v9;
	[tilespmem:s4+$0xFFFFFFF0] =	vst v8;
	v12 =	vpop (erf)  }
0x222: {  	v13 =	vand.u32 $0x7FFFFFFF, v1;
	v8 =	vld.idx.msk [tilespmem:v2+s2+$0x0], $0xffff;
	[tilespmem:s4+$0x0] =	vst v9;
	v9 =	vsub.f32 $0.0e+00, v3;
	v16 =	vadd.f32 $1.000000000e+00, v12  }
0x223: {  	s5 =	simm.s32 $0xA0;
	v2 =	vsub.f32 $1.000000000e+00, v12;
	v12 =	vld.idx.msk [tilespmem:v15+s2+$0x0], $0xffff;
	v15 =	vmul.f32 $-2.000000000e+00, v13;
	v13 =	vsub.f32 $1.000000000e+00, v63;
	v14 =	vpop (erf)  }
.LBB2_8:
0x224: {  	v17 =	vsub.f32 $1.000000000e+00, v14;
	v18 =	vadd.f32 $1.000000000e+00, v14;
	(erf) = vrcp.f32 v16  }
0x225: {  	s6 =	sadd.s32 s5, s21;
	v7 =	vld.idx.msk [tilespmem:v7+s2+$0x0], $0xffff;
	v16 =	vpop (erf);
	vm3 =	vmmov vm5;
	vm5 =	vmmov vm0;
	vm0 =	vmmov vm4  }
0x226: {  	s5 =	sadd.s32 $0x50, s5;
	s3 =	sadd.s32 $0xA0, s3;
	s7 =	sadd.s32 $0x90, s6;
	v6 =	vld.idx.msk [tilespmem:v6+s2+$0x0], $0xffff;
	v15 =	vmul.f32 $1.442695020e+00, v15;
	v13 =	vmul.f32 v16, v13;
	v16 =	vpop (erf);
	v3 =	vsel vm5, v9, v3  }
0x227: {  	s8 =	sand.u32 $0xFFFFFF00, s3;
	p0 =	slt.u32 s5, $0x780;
	v9 =	vand.u32 $0xFFFF0000, v11;
	s7 =	sand.u32 $0x70, s7;
	v5 =	vld.idx.msk [tilespmem:v5+s2+$0x0], $0xffff;
	v11 =	vadd.f32 $1.000000000e+00, v16;
	(erf) = vrcp.f32 v18;
	v14 =	vpop (erf);
	[tilespmem:s4+$0x10] =	vst v3  }
0x228: {  	s9 =	sadd.s32 $0x50, s6;
	s10 =	sadd.s32 $0x60, s6;
	v3 =	vshll.u32 v10, $0x10;
	s7 =	sor.u32 s7, s8;
	v4 =	vld.idx.msk [tilespmem:v4+s2+$0x0], $0xffff;
	(erf) = vpow2.f32 v15;
	v10 =	vsub.f32 $0.0e+00, v13  }
0x229: {  	vm4 =	vlt.f32 v0, $0.0e+00;
	v0 =	vmovc v1;
	s11 =	sadd.s32 $0x70, s6;
	s6 =	sadd.s32 $0x80, s6;
	s8 =	sadd.s32 $0xFFFFFF80, s3;
	v3 =	vadd.f32 v3, v9;
	v8 =	vand.u32 $0xFFFF0000, v8;
	v15 =	vld [tilespmem:s7+$0x3880]  }
0x22a: {  	s26 =	sadd.s32 $0xFFFFFFA0, s3;
	s31 =	sadd.s32 $0xFFFFFFC0, s3;
	s4 =	sadd.s32 $0x50, s4;
	v9 =	vshll.u32 v12, $0x10;
	v12 =	vadd.f32 $1.000000000e+00, v14;
	v1 =	vld [tilespmem:s7+$0x3900];
	v10 =	vsel vm4, v10, v13  }
0x22b: {  	s7 =	sand.u32 $0x70, s9;
	s9 =	sand.u32 $0x70, s10;
	s10 =	sadd.s32 $0xFFFFFFE0, s3;
	v13 =	vand.u32 $0x7FFFFFFF, v3;
	v8 =	vadd.f32 v9, v8;
	v7 =	vand.u32 $0xFFFF0000, v7;
	[tilespmem:s4+$0x20] =	vst v10  }
0x22c: {  	s11 =	sand.u32 $0x70, s11;
	s6 =	sand.u32 $0x70, s6;
	s8 =	sand.u32 $0xFFFFFF00, s8;
	v13 =	vmul.f32 $-2.000000000e+00, v13;
	v6 =	vshll.u32 v6, $0x10;
	(erf) = vrcp.f32 v11  }
0x22d: {  	s26 =	sand.u32 $0xFFFFFF00, s26;
	s31 =	sand.u32 $0xFFFFFF00, s31;
	s10 =	sand.u32 $0xFFFFFF00, s10;
	v10 =	vand.u32 $0x7FFFFFFF, v8;
	v11 =	vadd.f32 v6, v7;
	v5 =	vand.u32 $0xFFFF0000, v5  }
0x22e: {  	s7 =	sor.u32 s7, s8;
	s8 =	sor.u32 s9, s26;
	s9 =	sor.u32 s11, s31;
	v6 =	vmul.f32 $1.442695020e+00, v13;
	v7 =	vmul.f32 $-2.000000000e+00, v10;
	v4 =	vshll.u32 v4, $0x10;
	v9 =	vpop (erf)  }
0x22f: {  	s6 =	sor.u32 s6, s10;
	v13 =	vand.u32 $0x7FFFFFFF, v11;
	v4 =	vadd.f32 v4, v5;
	v10 =	vld [tilespmem:s7+$0x3880];
	(erf) = vrcp.f32 v12  }
0x230: {  	v5 =	vmul.f32 $1.442695020e+00, v7;
	v7 =	vmul.f32 $-2.000000000e+00, v13;
	v13 =	vsub.f32 $1.000000000e+00, v16;
	v12 =	vld [tilespmem:s7+$0x3900];
	v16 =	vpop (erf)  }
0x231: {  	v14 =	vsub.f32 $1.000000000e+00, v14;
	v18 =	vand.u32 $0x7FFFFFFF, v4;
	v15 =	vld.idx.msk [tilespmem:v15+s2+$0x0], $0xffff;
	(erf) = vpow2.f32 v6;
	v19 =	vpop (erf)  }
0x232: {  	v6 =	vmul.f32 $1.442695020e+00, v7;
	v7 =	vmul.f32 $-2.000000000e+00, v18;
	v1 =	vld.idx.msk [tilespmem:v1+s2+$0x0], $0xffff;
	v18 =	vadd.f32 $1.000000000e+00, v19  }
0x233: {  	vm6 =	vlt.f32 v3, $0.0e+00;
	v2 =	vmul.f32 v9, v2;
	v20 =	vld [tilespmem:s8+$0x3880];
	(erf) = vpow2.f32 v5  }
0x234: {  	vm7 =	vlt.f32 v8, $0.0e+00;
	v3 =	vmul.f32 $1.442695020e+00, v7;
	v9 =	vld [tilespmem:s8+$0x3900];
	(erf) = vrcp.f32 v18  }
0x235: {  	v8 =	vsub.f32 $0.0e+00, v2;
	v16 =	vmul.f32 v16, v17;
	v7 =	vld [tilespmem:s9+$0x3880];
	(erf) = vpow2.f32 v6;
	v5 =	vpop (erf)  }
0x236: {  	vm5 =	vlt.f32 v11, $0.0e+00;
	v6 =	vld [tilespmem:s9+$0x3900];
	(erf) = vpow2.f32 v3;
	v13 =	vmul.f32 v5, v13  }
0x237: {  	vm4 =	vlt.f32 v4, $0.0e+00;
	v2 =	vsel vm2, v8, v2;
	v3 =	vsub.f32 $0.0e+00, v16;
	v5 =	vld [tilespmem:s6+$0x3880]  }
.Ltmp3:
0x238: {  	v8 =	vand.u32 $0xFFFF0000, v15;
	v1 =	vshll.u32 v1, $0x10;
	v4 =	vld [tilespmem:s6+$0x3900];
	[tilespmem:s4+$0xFFFFFFE0] =	vst v2;
	v2 =	vsub.f32 $0.0e+00, v13;
	v15 =	vpop (erf);
	(pc) =	sbr.rel @p0 .LBB2_8-.Ltmp3, $4  }
0x239: {  	v1 =	vadd.f32 v1, v8;
	v8 =	vsel vm1, v3, v16;
	v11 =	vld.idx.msk [tilespmem:v10+s2+$0x0], $0xffff;
	v3 =	vmul.f32 v15, v14  }
0x23a: {  	vm2 =	vmmov vm6;
	vm1 =	vmmov vm7;
	v10 =	vld.idx.msk [tilespmem:v12+s2+$0x0], $0xffff;
	v12 =	vpop (erf);
	[tilespmem:s4+$0xFFFFFFF0] =	vst v8;
	v13 =	vsel vm3, v2, v13  }
0x23b: {  	v17 =	vand.u32 $0x7FFFFFFF, v1;
	v8 =	vld.idx.msk [tilespmem:v20+s2+$0x0], $0xffff;
	v2 =	vsub.f32 $1.000000000e+00, v12;
	v16 =	vadd.f32 $1.000000000e+00, v12;
	[tilespmem:s4+$0x0] =	vst v13  }
0x23c: {  	v15 =	vmul.f32 $-2.000000000e+00, v17;
	v13 =	vsub.f32 $1.000000000e+00, v19;
	v12 =	vld.idx.msk [tilespmem:v9+s2+$0x0], $0xffff;
	v14 =	vpop (erf);
	v9 =	vsub.f32 $0.0e+00, v3  }
0x23d: {  	_ =	sdelay $0x3  }
0x23e: {  	v17 =	vadd.f32 $1.000000000e+00, v14;
	v7 =	vld.idx.msk [tilespmem:v7+s2+$0x0], $0xffff;
	v15 =	vmul.f32 $1.442695020e+00, v15  }
0x23f: {  	(erf) = vrcp.f32 v16;
	v6 =	vld.idx.msk [tilespmem:v6+s2+$0x0], $0xffff  }
0x240: {  	v5 =	vld.idx.msk [tilespmem:v5+s2+$0x0], $0xffff;
	(erf) = vrcp.f32 v17  }
0x241: {  	v4 =	vld.idx.msk [tilespmem:v4+s2+$0x0], $0xffff;
	(erf) = vpow2.f32 v15  }
0x242: {  	v11 =	vand.u32 $0xFFFF0000, v11;
	v10 =	vshll.u32 v10, $0x10;
	v15 =	vpop (erf)  }
0x243: {  	v10 =	vadd.f32 v10, v11;
	v8 =	vand.u32 $0xFFFF0000, v8;
	v11 =	vshll.u32 v12, $0x10;
	v16 =	vpop (erf)  }
0x244: {  	v8 =	vadd.f32 v11, v8;
	v12 =	vadd.f32 $1.000000000e+00, v16;
	v17 =	vpop (erf)  }
0x245: {  	v18 =	vand.u32 $0x7FFFFFFF, v10;
	v7 =	vand.u32 $0xFFFF0000, v7;
	v11 =	vadd.f32 $1.000000000e+00, v17  }
0x246: {  	v6 =	vshll.u32 v6, $0x10;
	v5 =	vand.u32 $0xFFFF0000, v5;
	v4 =	vshll.u32 v4, $0x10  }
0x247: {  	v18 =	vmul.f32 $-2.000000000e+00, v18;
	v6 =	vadd.f32 v6, v7;
	v19 =	vand.u32 $0x7FFFFFFF, v8  }
0x248: {  	v4 =	vadd.f32 v4, v5;
	v7 =	vmul.f32 $-2.000000000e+00, v19;
	(erf) = vrcp.f32 v12;
	v12 =	vpop (erf)  }
0x249: {  	v5 =	vmul.f32 $1.442695020e+00, v18;
	v18 =	vand.u32 $0x7FFFFFFF, v6;
	(erf) = vrcp.f32 v11;
	v11 =	vpop (erf)  }
0x24a: {  	v19 =	vand.u32 $0x7FFFFFFF, v4;
	v18 =	vmul.f32 $-2.000000000e+00, v18;
	v7 =	vmul.f32 $1.442695020e+00, v7;
	v20 =	vpop (erf)  }
0x24b: {  	(erf) = vpow2.f32 v5;
	v5 =	vmul.f32 $-2.000000000e+00, v19;
	v19 =	vadd.f32 $1.000000000e+00, v20  }
0x24c: {  	v18 =	vmul.f32 $1.442695020e+00, v18;
	(erf) = vpow2.f32 v7  }
0x24d: {  	v5 =	vmul.f32 $1.442695020e+00, v5;
	(erf) = vrcp.f32 v19  }
0x24e: {  	(erf) = vpow2.f32 v18  }
0x24f: {  	(erf) = vpow2.f32 v5;
	_ =	sdelay $0x1  }
0x250: {  	v7 =	vmul.f32 v15, v13  }
0x251: {  	v5 =	vpop (erf)  }
0x252: {  	v18 =	vsub.f32 $0.0e+00, v7;
	v13 =	vpop (erf)  }
0x253: {  	v14 =	vsub.f32 $1.000000000e+00, v14;
	v15 =	vpop (erf)  }
0x254: {  	vm5 =	vmmov vm5;
	vm0 =	vmmov vm0;
	v19 =	vpop (erf)  }
0x255: {  	v3 =	vsel vm0, v9, v3;
	vm0 =	vlt.f32 v0, $0.0e+00;
	v0 =	vadd.f32 $1.000000000e+00, v15;
	v9 =	vpop (erf)  }
0x256: {  	v2 =	vmul.f32 v12, v2;
	v7 =	vsel vm0, v18, v7;
	v12 =	vadd.f32 $1.000000000e+00, v19;
	v18 =	vpop (erf)  }
0x257: {  	v11 =	vmul.f32 v11, v14;
	(erf) = vrcp.f32 v0;
	v0 =	vadd.f32 $1.000000000e+00, v18;
	v14 =	vpop (erf)  }
0x258: {  	v16 =	vsub.f32 $1.000000000e+00, v16;
	(erf) = vrcp.f32 v12;
	v12 =	vadd.f32 $1.000000000e+00, v14  }
0x259: {  	vm7 =	vlt.f32 v8, $0.0e+00;
	v17 =	vsub.f32 $1.000000000e+00, v17;
	(erf) = vrcp.f32 v0  }
0x25a: {  	vm3 =	vlt.f32 v6, $0.0e+00;
	v0 =	vmul.f32 v5, v16;
	(erf) = vrcp.f32 v12  }
0x25b: {  	v8 =	vsub.f32 $0.0e+00, v11;
	v6 =	vmul.f32 v13, v17;
	v5 =	vsub.f32 $0.0e+00, v2  }
0x25c: {  	vm4 =	vmmov vm4;
	vm0 =	vlt.f32 v4, $0.0e+00;
	v4 =	vsub.f32 $0.0e+00, v0  }
0x25d: {  	v2 =	vsel vm2, v5, v2;
	v5 =	vsel vm1, v8, v11;
	v8 =	vsub.f32 $0.0e+00, v6  }
0x25e: {  	s3 =	sadd.s32 $0x50, s4;
	vm4 =	vmmov vm4;
	[tilespmem:s4+$0x10] =	vst v3;
	v0 =	vsel vm5, v4, v0;
	v4 =	vsub.f32 $1.000000000e+00, v20  }
0x25f: {  	v3 =	vsub.f32 $1.000000000e+00, v15;
	[tilespmem:s3+$0xFFFFFFE0] =	vst v2;
	v2 =	vsel vm4, v8, v6;
	v6 =	vsub.f32 $1.000000000e+00, v18  }
0x260: {  	vm6 =	vlt.f32 v10, $0.0e+00;
	[tilespmem:s3+$0x20] =	vst v7;
	v7 =	vsub.f32 $1.000000000e+00, v19;
	v4 =	vmul.f32 v9, v4;
	v9 =	vpop (erf)  }
0x261: {  	vm3 =	vmmov vm3;
	vm1 =	vmmov vm6;
	v8 =	vpop (erf);
	v3 =	vmul.f32 v9, v3  }
0x262: {  	[tilespmem:s3+$0xFFFFFFF0] =	vst v5;
	v9 =	vsub.f32 $1.000000000e+00, v14;
	v5 =	vsub.f32 $0.0e+00, v4;
	v7 =	vmul.f32 v8, v7;
	v8 =	vpop (erf)  }
0x263: {  	vm4 =	vlt.f32 v1, $0.0e+00;
	[tilespmem:s3+$0x0] =	vst v0;
	v0 =	vsub.f32 $0.0e+00, v3;
	v1 =	vmul.f32 v8, v6;
	v6 =	vpop (erf)  }
0x264: {  	[tilespmem:s3+$0x10] =	vst v2;
	s3 =	sadd.s32 $0x50, s3;
	v2 =	vsel vm4, v5, v4;
	v4 =	vsub.f32 $0.0e+00, v7;
	v5 =	vmul.f32 v6, v9  }
0x265: {  	vm2 =	vmmov vm7;
	[tilespmem:s3+$0x20] =	vst v2;
	v0 =	vsel vm1, v0, v3;
	v2 =	vsub.f32 $0.0e+00, v1  }
0x266: {  	vm0 =	vmmov vm0;
	[tilespmem:s3+$0xFFFFFFE0] =	vst v0;
	v0 =	vsel vm2, v4, v7;
	v3 =	vsub.f32 $0.0e+00, v5  }
0x267: {  	vm0 =	vmmov vm0;
	[tilespmem:s3+$0xFFFFFFF0] =	vst v0;
	v0 =	vsel vm3, v2, v1  }
0x268: {  	[tilespmem:s3+$0x0] =	vst v0;
	v0 =	vsel vm0, v3, v5  }
0x269: {  	s9 =	simm.s32 $0x5180;
	[tilespmem:s3+$0x10] =	vst v0  }
0x26a: {  	[hbm4b:s12+s2] =	stream.linear.scatter [tilespmem:s9], [sflag:$0x3], $0x7D0, $0x38;
	[tilespmem:$0x5980] =	vst v63  }
0x26b: {  	_ =	swait.ge [sflag:s29], $0x1100  }
0x26c: {  	[sflag:s29] =	ssyncset.done $0x0  }
0x26d: {  	s3 =	sadd.s32 $0xFFFFFFB0, s23;
	[sflag:s29] =	ssyncadd.s32 $0xFFFFEF00  }
0x26e: {  	s5 =	sadd.s32 $0x3F00, s24;
	s10 =	sadd.s32 $0x1FD0, s3;
	_ =	swait.ge [sflag:s1], $0x7D0  }
0x26f: {  	s5 =	sand.u32 $0xFFFFFF00, s5;
	s4 =	sand.u32 $0x70, s10;
	[sflag:s1] =	ssyncset.done $0x0  }
0x270: {  	s4 =	sor.u32 s4, s5;
	[sflag:s1] =	ssyncadd.s32 $0xFFFFF830  }
0x271: {  	v0 =	vld [tilespmem:s4+$0x2780]  }
0x272: {  	s26 =	sadd.s32 $0x3E80, s24;
	s11 =	sadd.s32 $0x1F90, s3;
	v1 =	vld [tilespmem:s4+$0x2800]  }
0x273: {  	s5 =	sand.u32 $0xFFFFFF00, s26;
	s4 =	sand.u32 $0x70, s11  }
0x274: {  	s6 =	sadd.s32 $0x3EA0, s24;
	s31 =	sadd.s32 $0x1FA0, s3;
	s4 =	sor.u32 s4, s5  }
0x275: {  	s6 =	sand.u32 $0xFFFFFF00, s6;
	s5 =	sand.u32 $0x70, s31;
	v2 =	vld [tilespmem:s4+$0x2780]  }
0x276: {  	v3 =	vld [tilespmem:s4+$0x2800];
	s4 =	sor.u32 s5, s6  }
0x277: {  	v4 =	vld [tilespmem:s4+$0x2780]  }
0x278: {  	s7 =	sadd.s32 $0x3EC0, s24;
	s8 =	sadd.s32 $0x1FB0, s3;
	v5 =	vld [tilespmem:s4+$0x2800]  }
0x279: {  	s9 =	sand.u32 $0x70, s8;
	s10 =	sand.u32 $0xFFFFFF00, s7;
	v0 =	vld.idx.msk [tilespmem:v0+s2+$0x0], $0xffff  }
0x27a: {  	s3 =	sadd.s32 $0x1FC0, s3;
	s11 =	sadd.s32 $0x3EE0, s24;
	s5 =	sor.u32 s9, s10;
	v1 =	vld.idx.msk [tilespmem:v1+s2+$0x0], $0xffff  }
0x27b: {  	s3 =	sand.u32 $0x70, s3;
	s26 =	sand.u32 $0xFFFFFF00, s11;
	v6 =	vld [tilespmem:s5+$0x2780]  }
0x27c: {  	s3 =	sor.u32 s3, s26;
	v7 =	vld [tilespmem:s5+$0x2800]  }
0x27d: {  	v8 =	vld [tilespmem:s3+$0x2780]  }
0x27e: {  	v9 =	vld [tilespmem:s3+$0x2800]  }
0x27f: {  	v4 =	vld.idx.msk [tilespmem:v4+s2+$0x0], $0xffff;
	v0 =	vand.u32 $0xFFFF0000, v0;
	v1 =	vshll.u32 v1, $0x10  }
0x280: {  	v1 =	vadd.f32 v1, v0;
	v0 =	vld.idx.msk [tilespmem:v2+s2+$0x0], $0xffff  }
0x281: {  	v2 =	vld.idx.msk [tilespmem:v3+s2+$0x0], $0xffff  }
0x282: {  	v5 =	vld.idx.msk [tilespmem:v5+s2+$0x0], $0xffff  }
0x283: {  	v3 =	vand.u32 $0x7FFFFFFF, v1  }
0x284: {  	s31 =	sadd.s32 $0x0, s23;
	s3 =	sadd.s32 $0xA0, s24;
	v6 =	vld.idx.msk [tilespmem:v6+s2+$0x0], $0xffff;
	v3 =	vmul.f32 $-2.000000000e+00, v3  }
0x285: {  	s6 =	sadd.s32 $0x1FD0, s31;
	s7 =	sadd.s32 $0x3F00, s3;
	v7 =	vld.idx.msk [tilespmem:v7+s2+$0x0], $0xffff  }
0x286: {  	s5 =	sand.u32 $0x70, s6;
	s6 =	sand.u32 $0xFFFFFF00, s7;
	v8 =	vld.idx.msk [tilespmem:v8+s2+$0x0], $0xffff;
	v3 =	vmul.f32 $1.442695020e+00, v3;
	v0 =	vand.u32 $0xFFFF0000, v0;
	v2 =	vshll.u32 v2, $0x10  }
0x287: {  	s5 =	sor.u32 s5, s6;
	v9 =	vld.idx.msk [tilespmem:v9+s2+$0x0], $0xffff;
	v5 =	vshll.u32 v5, $0x10;
	v0 =	vadd.f32 v2, v0;
	v2 =	vand.u32 $0xFFFF0000, v4  }
0x288: {  	s8 =	sadd.s32 $0x1F90, s31;
	s9 =	sadd.s32 $0x3E80, s3;
	v4 =	vld [tilespmem:s5+$0x2800];
	(erf) = vpow2.f32 v3;
	v2 =	vadd.f32 v5, v2  }
0x289: {  	s6 =	sand.u32 $0xFFFFFF00, s9;
	v6 =	vand.u32 $0xFFFF0000, v6;
	v3 =	vld [tilespmem:s5+$0x2780];
	s5 =	sand.u32 $0x70, s8  }
0x28a: {  	v7 =	vshll.u32 v7, $0x10;
	v5 =	vand.u32 $0x7FFFFFFF, v0;
	s5 =	sor.u32 s5, s6;
	v10 =	vand.u32 $0x7FFFFFFF, v2  }
0x28b: {  	s10 =	sadd.s32 $0x1FA0, s31;
	v6 =	vadd.f32 v7, v6;
	s8 =	sadd.s32 $0x3EA0, s3;
	v5 =	vmul.f32 $-2.000000000e+00, v5;
	v7 =	vmul.f32 $-2.000000000e+00, v10;
	v10 =	vld [tilespmem:s5+$0x2780]  }
0x28c: {  	s7 =	sand.u32 $0x70, s10;
	s8 =	sand.u32 $0xFFFFFF00, s8  }
0x28d: {  	v12 =	vld [tilespmem:s5+$0x2800];
	s7 =	sor.u32 s7, s8;
	v5 =	vmul.f32 $1.442695020e+00, v5  }
0x28e: {  	v8 =	vand.u32 $0xFFFF0000, v8;
	v9 =	vshll.u32 v9, $0x10;
	v13 =	vld [tilespmem:s7+$0x2780]  }
0x28f: {  	s11 =	sadd.s32 $0x1FB0, s31;
	s4 =	sadd.s32 $0x1FC0, s31;
	s31 =	sadd.s32 $0x3EE0, s3;
	v8 =	vadd.f32 v9, v8;
	v14 =	vld [tilespmem:s7+$0x2800];
	v7 =	vmul.f32 $1.442695020e+00, v7;
	(erf) = vpow2.f32 v5  }
0x290: {  	s4 =	sand.u32 $0x70, s4;
	v11 =	vand.u32 $0x7FFFFFFF, v6;
	s7 =	sand.u32 $0xFFFFFF00, s31;
	v4 =	vld.idx.msk [tilespmem:v4+s2+$0x0], $0xffff  }
0x291: {  	s26 =	sadd.s32 $0x3EC0, s3;
	v9 =	vmul.f32 $-2.000000000e+00, v11;
	s4 =	sor.u32 s4, s7;
	(erf) = vpow2.f32 v7;
	v7 =	vand.u32 $0x7FFFFFFF, v8;
	v3 =	vld.idx.msk [tilespmem:v3+s2+$0x0], $0xffff;
	v5 =	vpop (erf)  }
0x292: {  	s6 =	sand.u32 $0x70, s11;
	s5 =	sand.u32 $0xFFFFFF00, s26;
	v15 =	vld [tilespmem:s4+$0x2780];
	v7 =	vmul.f32 $-2.000000000e+00, v7;
	v11 =	vadd.f32 $1.000000000e+00, v5  }
0x293: {  	v9 =	vmul.f32 $1.442695020e+00, v9;
	vm1 =	vlt.f32 v2, $0.0e+00;
	s5 =	sor.u32 s6, s5;
	v2 =	vld.idx.msk [tilespmem:v10+s2+$0x0], $0xffff  }
0x294: {  	v7 =	vmul.f32 $1.442695020e+00, v7;
	(erf) = vrcp.f32 v11;
	v11 =	vld [tilespmem:s5+$0x2780]  }
0x295: {  	vm3 =	vlt.f32 v6, $0.0e+00;
	vm0 =	vlt.f32 v0, $0.0e+00;
	(erf) = vpow2.f32 v9;
	v9 =	vld [tilespmem:s5+$0x2800]  }
0x296: {  	v6 =	vld.idx.msk [tilespmem:v13+s2+$0x0], $0xffff;
	v0 =	vand.u32 $0xFFFF0000, v3;
	v3 =	vshll.u32 v4, $0x10;
	(erf) = vpow2.f32 v7  }
0x297: {  	v0 =	vadd.f32 v3, v0;
	v3 =	vld.idx.msk [tilespmem:v12+s2+$0x0], $0xffff  }
0x298: {  	vm4 =	vlt.f32 v8, $0.0e+00;
	vm5 =	vmmov vm3;
	vm3 =	vlt.f32 v1, $0.0e+00;
	v7 =	vld [tilespmem:s4+$0x2800];
	v4 =	vpop (erf)  }
0x299: {  	vm2 =	vmmov vm0;
	v13 =	vld.idx.msk [tilespmem:v14+s2+$0x0], $0xffff;
	v10 =	vsub.f32 $1.000000000e+00, v4;
	v4 =	vadd.f32 $1.000000000e+00, v4  }
0x29a: {  	s3 =	sadd.s32 $0xA0, s3;
	vm0 =	vmmov vm4;
	v5 =	vsub.f32 $1.000000000e+00, v5;
	s4 =	sadd.s32 $0x50, s23;
	v8 =	vand.u32 $0x7FFFFFFF, v0;
	v12 =	vpop (erf)  }
0x29b: {  	s9 =	sadd.s32 $0x3F00, s3;
	v15 =	vld.idx.msk [tilespmem:v15+s2+$0x0], $0xffff;
	s8 =	sadd.s32 $0x1FD0, s4;
	v8 =	vmul.f32 $-2.000000000e+00, v8;
	v14 =	vsub.f32 $1.000000000e+00, v12;
	v12 =	vadd.f32 $1.000000000e+00, v12  }
0x29c: {  	s6 =	sand.u32 $0xFFFFFF00, s9;
	s5 =	sand.u32 $0x70, s8;
	v2 =	vand.u32 $0xFFFF0000, v2;
	(erf) = vrcp.f32 v4;
	v3 =	vshll.u32 v3, $0x10;
	v11 =	vld.idx.msk [tilespmem:v11+s2+$0x0], $0xffff  }
0x29d: {  	s5 =	sor.u32 s5, s6;
	v8 =	vmul.f32 $1.442695020e+00, v8;
	(erf) = vrcp.f32 v12;
	v2 =	vadd.f32 v3, v2;
	v4 =	vpop (erf);
	v9 =	vld.idx.msk [tilespmem:v9+s2+$0x0], $0xffff  }
0x29e: {  	v1 =	vld [tilespmem:s5+$0x2800];
	v3 =	vand.u32 $0xFFFF0000, v6;
	v6 =	vshll.u32 v13, $0x10;
	v4 =	vmul.f32 v4, v5;
	v5 =	vpop (erf)  }
0x29f: {  	v17 =	vld [tilespmem:s5+$0x2780];
	v3 =	vadd.f32 v6, v3;
	(erf) = vpow2.f32 v8;
	v16 =	vadd.f32 $1.000000000e+00, v5;
	v12 =	vpop (erf)  }
0x2a0: {  	vm1 =	vmmov vm1;
	v7 =	vld.idx.msk [tilespmem:v7+s2+$0x0], $0xffff;
	v8 =	vsub.f32 $0.0e+00, v4;
	v13 =	vadd.f32 $1.000000000e+00, v12  }
0x2a1: {  	v6 =	vand.u32 $0xFFFF0000, v11;
	(erf) = vrcp.f32 v16;
	v11 =	vand.u32 $0x7FFFFFFF, v3  }
0x2a2: {  	s11 =	sadd.s32 $0x3E80, s3;
	s10 =	sadd.s32 $0x1F90, s4;
	v8 =	vsel vm3, v8, v4;
	v4 =	vand.u32 $0x7FFFFFFF, v2;
	v9 =	vshll.u32 v9, $0x10  }
0x2a3: {  	s6 =	sand.u32 $0xFFFFFF00, s11;
	s5 =	sand.u32 $0x70, s10;
	v11 =	vmul.f32 $-2.000000000e+00, v11;
	v4 =	vmul.f32 $-2.000000000e+00, v4;
	v9 =	vadd.f32 v9, v6  }
0x2a4: {  	s5 =	sor.u32 s5, s6;
	vm6 =	vlt.f32 v2, $0.0e+00;
	(erf) = vrcp.f32 v13;
	v6 =	vand.u32 $0xFFFF0000, v15  }
0x2a5: {  	v16 =	vld [tilespmem:s5+$0x2780];
	v7 =	vshll.u32 v7, $0x10;
	v4 =	vmul.f32 $1.442695020e+00, v4;
	v18 =	vand.u32 $0x7FFFFFFF, v9  }
0x2a6: {  	s31 =	sadd.s32 $0x3EA0, s3;
	s26 =	sadd.s32 $0x1FA0, s4;
	v5 =	vsub.f32 $1.000000000e+00, v5;
	v1 =	vld.idx.msk [tilespmem:v1+s2+$0x0], $0xffff;
	v15 =	vpop (erf);
	v19 =	vadd.f32 v7, v6;
	v7 =	vmul.f32 $-2.000000000e+00, v18  }
0x2a7: {  	s7 =	sand.u32 $0xFFFFFF00, s31;
	s6 =	sand.u32 $0x70, s26;
	vm7 =	vlt.f32 v3, $0.0e+00;
	v13 =	vld [tilespmem:s5+$0x2800];
	v6 =	vmul.f32 $1.442695020e+00, v11;
	v11 =	vpop (erf);
	(erf) = vpow2.f32 v4  }
0x2a8: {  	s9 =	sadd.s32 $0x3EC0, s3;
	s8 =	sadd.s32 $0x1FB0, s4;
	v12 =	vsub.f32 $1.000000000e+00, v12;
	v17 =	vld.idx.msk [tilespmem:v17+s2+$0x0], $0xffff;
	s5 =	sor.u32 s6, s7;
	v18 =	vand.u32 $0x7FFFFFFF, v19;
	v63 =	vpop (erf);
	v4 =	vmul.f32 $1.442695020e+00, v7  }
0x2a9: {  	s11 =	sand.u32 $0xFFFFFF00, s9;
	s10 =	sand.u32 $0x70, s8;
	v2 =	vld [tilespmem:s5+$0x2780];
	v7 =	vmul.f32 $-2.000000000e+00, v18;
	v18 =	vadd.f32 $1.000000000e+00, v63;
	(erf) = vpow2.f32 v6  }
0x2aa: {  	s4 =	sadd.s32 $0x1FC0, s4;
	s26 =	sadd.s32 $0x3EE0, s3;
	s6 =	sor.u32 s10, s11;
	v10 =	vmul.f32 v15, v10;
	v15 =	vld [tilespmem:s5+$0x2800];
	vm3 =	vlt.f32 v9, $0.0e+00;
	v14 =	vmul.f32 v11, v14  }
0x2ab: {  	s4 =	sand.u32 $0x70, s4;
	s31 =	sand.u32 $0xFFFFFF00, s26;
	v1 =	vshll.u32 v1, $0x10;
	v6 =	vld [tilespmem:s6+$0x2800];
	v3 =	vmul.f32 $1.442695020e+00, v7;
	(erf) = vrcp.f32 v18;
	v11 =	vpop (erf)  }
0x2ac: {  	s5 =	sor.u32 s4, s31;
	v7 =	vld [tilespmem:s6+$0x2780];
	(erf) = vpow2.f32 v4;
	v4 =	vsub.f32 $0.0e+00, v10;
	v9 =	vmul.f32 v11, v5  }
0x2ad: {  	s4 =	simm.s32 $0x49A0;
	v5 =	vld [tilespmem:s5+$0x2780];
	v11 =	vand.u32 $0xFFFF0000, v17;
	(erf) = vpow2.f32 v3;
	v3 =	vsub.f32 $0.0e+00, v14  }
0x2ae: {  	[tilespmem:s4+$0x20] =	vst v8;
	v1 =	vadd.f32 v1, v11;
	v18 =	vpop (erf);
	v11 =	vld.idx.msk [tilespmem:v16+s2+$0x0], $0xffff;
	v10 =	vsel vm2, v4, v10;
	v17 =	vsub.f32 $0.0e+00, v9  }
0x2af: {  	vm4 =	vlt.f32 v19, $0.0e+00;
	v4 =	vld [tilespmem:s5+$0x2800];
	v8 =	vsel vm1, v3, v14;
	v3 =	vmul.f32 v18, v12;
	[tilespmem:s4+$0xFFFFFFE0] =	vst v10  }
0x2b0: {  	vm2 =	vmmov vm6;
	v10 =	vld.idx.msk [tilespmem:v13+s2+$0x0], $0xffff;
	vm1 =	vmmov vm7;
	v9 =	vsel vm5, v17, v9;
	[tilespmem:s4+$0xFFFFFFF0] =	vst v8;
	v12 =	vpop (erf)  }
0x2b1: {  	v13 =	vand.u32 $0x7FFFFFFF, v1;
	v8 =	vld.idx.msk [tilespmem:v2+s2+$0x0], $0xffff;
	[tilespmem:s4+$0x0] =	vst v9;
	v9 =	vsub.f32 $0.0e+00, v3;
	v16 =	vadd.f32 $1.000000000e+00, v12  }
0x2b2: {  	s5 =	simm.s32 $0xA0;
	v2 =	vsub.f32 $1.000000000e+00, v12;
	v12 =	vld.idx.msk [tilespmem:v15+s2+$0x0], $0xffff;
	v15 =	vmul.f32 $-2.000000000e+00, v13;
	v13 =	vsub.f32 $1.000000000e+00, v63;
	v14 =	vpop (erf)  }
.LBB2_10:
0x2b3: {  	v17 =	vsub.f32 $1.000000000e+00, v14;
	v18 =	vadd.f32 $1.000000000e+00, v14;
	(erf) = vrcp.f32 v16  }
0x2b4: {  	s6 =	sadd.s32 s5, s23;
	v7 =	vld.idx.msk [tilespmem:v7+s2+$0x0], $0xffff;
	s3 =	sadd.s32 $0xA0, s3;
	v16 =	vpop (erf);
	vm5 =	vmmov vm3;
	vm3 =	vmmov vm0;
	vm0 =	vmmov vm4  }
0x2b5: {  	s5 =	sadd.s32 $0x50, s5;
	s7 =	sadd.s32 $0x1FD0, s6;
	s8 =	sadd.s32 $0x3F00, s3;
	v6 =	vld.idx.msk [tilespmem:v6+s2+$0x0], $0xffff;
	v15 =	vmul.f32 $1.442695020e+00, v15;
	v13 =	vmul.f32 v16, v13;
	v16 =	vpop (erf);
	v3 =	vsel vm3, v9, v3  }
0x2b6: {  	p0 =	slt.u32 s5, $0x780;
	v9 =	vand.u32 $0xFFFF0000, v11;
	s7 =	sand.u32 $0x70, s7;
	s8 =	sand.u32 $0xFFFFFF00, s8;
	v5 =	vld.idx.msk [tilespmem:v5+s2+$0x0], $0xffff;
	v11 =	vadd.f32 $1.000000000e+00, v16;
	(erf) = vrcp.f32 v18;
	v14 =	vpop (erf);
	[tilespmem:s4+$0x10] =	vst v3  }
0x2b7: {  	s9 =	sadd.s32 $0x1F90, s6;
	s10 =	sadd.s32 $0x1FA0, s6;
	v3 =	vshll.u32 v10, $0x10;
	s7 =	sor.u32 s7, s8;
	v4 =	vld.idx.msk [tilespmem:v4+s2+$0x0], $0xffff;
	(erf) = vpow2.f32 v15;
	v10 =	vsub.f32 $0.0e+00, v13  }
0x2b8: {  	s11 =	sadd.s32 $0x1FB0, s6;
	s6 =	sadd.s32 $0x1FC0, s6;
	vm3 =	vlt.f32 v0, $0.0e+00;
	v0 =	vmovc v1;
	s8 =	sadd.s32 $0x3E80, s3;
	v3 =	vadd.f32 v3, v9;
	v8 =	vand.u32 $0xFFFF0000, v8;
	v15 =	vld [tilespmem:s7+$0x2780]  }
0x2b9: {  	s26 =	sadd.s32 $0x3EA0, s3;
	s31 =	sadd.s32 $0x3EC0, s3;
	s4 =	sadd.s32 $0x50, s4;
	v9 =	vshll.u32 v12, $0x10;
	v12 =	vadd.f32 $1.000000000e+00, v14;
	v1 =	vld [tilespmem:s7+$0x2800];
	v10 =	vsel vm3, v10, v13  }
0x2ba: {  	s7 =	sand.u32 $0x70, s9;
	s9 =	sand.u32 $0x70, s10;
	s10 =	sadd.s32 $0x3EE0, s3;
	v13 =	vand.u32 $0x7FFFFFFF, v3;
	v8 =	vadd.f32 v9, v8;
	v7 =	vand.u32 $0xFFFF0000, v7;
	[tilespmem:s4+$0x20] =	vst v10  }
0x2bb: {  	s11 =	sand.u32 $0x70, s11;
	s6 =	sand.u32 $0x70, s6;
	s8 =	sand.u32 $0xFFFFFF00, s8;
	v13 =	vmul.f32 $-2.000000000e+00, v13;
	v6 =	vshll.u32 v6, $0x10;
	(erf) = vrcp.f32 v11  }
0x2bc: {  	s26 =	sand.u32 $0xFFFFFF00, s26;
	s31 =	sand.u32 $0xFFFFFF00, s31;
	s10 =	sand.u32 $0xFFFFFF00, s10;
	v10 =	vand.u32 $0x7FFFFFFF, v8;
	v11 =	vadd.f32 v6, v7;
	v5 =	vand.u32 $0xFFFF0000, v5  }
0x2bd: {  	s7 =	sor.u32 s7, s8;
	s8 =	sor.u32 s9, s26;
	s9 =	sor.u32 s11, s31;
	v6 =	vmul.f32 $1.442695020e+00, v13;
	v7 =	vmul.f32 $-2.000000000e+00, v10;
	v4 =	vshll.u32 v4, $0x10;
	v9 =	vpop (erf)  }
0x2be: {  	s6 =	sor.u32 s6, s10;
	v13 =	vand.u32 $0x7FFFFFFF, v11;
	v4 =	vadd.f32 v4, v5;
	v10 =	vld [tilespmem:s7+$0x2780];
	(erf) = vrcp.f32 v12  }
0x2bf: {  	v5 =	vmul.f32 $1.442695020e+00, v7;
	v7 =	vmul.f32 $-2.000000000e+00, v13;
	v13 =	vsub.f32 $1.000000000e+00, v16;
	v12 =	vld [tilespmem:s7+$0x2800];
	v16 =	vpop (erf)  }
0x2c0: {  	v14 =	vsub.f32 $1.000000000e+00, v14;
	v18 =	vand.u32 $0x7FFFFFFF, v4;
	v15 =	vld.idx.msk [tilespmem:v15+s2+$0x0], $0xffff;
	(erf) = vpow2.f32 v6;
	v19 =	vpop (erf)  }
0x2c1: {  	v6 =	vmul.f32 $1.442695020e+00, v7;
	v7 =	vmul.f32 $-2.000000000e+00, v18;
	v1 =	vld.idx.msk [tilespmem:v1+s2+$0x0], $0xffff;
	v18 =	vadd.f32 $1.000000000e+00, v19  }
0x2c2: {  	vm6 =	vlt.f32 v3, $0.0e+00;
	v2 =	vmul.f32 v9, v2;
	v20 =	vld [tilespmem:s8+$0x2780];
	(erf) = vpow2.f32 v5  }
0x2c3: {  	vm7 =	vlt.f32 v8, $0.0e+00;
	v3 =	vmul.f32 $1.442695020e+00, v7;
	v9 =	vld [tilespmem:s8+$0x2800];
	(erf) = vrcp.f32 v18  }
0x2c4: {  	v8 =	vsub.f32 $0.0e+00, v2;
	v16 =	vmul.f32 v16, v17;
	v7 =	vld [tilespmem:s9+$0x2780];
	(erf) = vpow2.f32 v6;
	v5 =	vpop (erf)  }
0x2c5: {  	vm3 =	vlt.f32 v11, $0.0e+00;
	v6 =	vld [tilespmem:s9+$0x2800];
	(erf) = vpow2.f32 v3;
	v13 =	vmul.f32 v5, v13  }
0x2c6: {  	vm4 =	vlt.f32 v4, $0.0e+00;
	v2 =	vsel vm2, v8, v2;
	v3 =	vsub.f32 $0.0e+00, v16;
	v5 =	vld [tilespmem:s6+$0x2780]  }
.Ltmp4:
0x2c7: {  	v8 =	vand.u32 $0xFFFF0000, v15;
	v1 =	vshll.u32 v1, $0x10;
	v4 =	vld [tilespmem:s6+$0x2800];
	[tilespmem:s4+$0xFFFFFFE0] =	vst v2;
	v2 =	vsub.f32 $0.0e+00, v13;
	v15 =	vpop (erf);
	(pc) =	sbr.rel @p0 .LBB2_10-.Ltmp4, $4  }
0x2c8: {  	v1 =	vadd.f32 v1, v8;
	v8 =	vsel vm1, v3, v16;
	v11 =	vld.idx.msk [tilespmem:v10+s2+$0x0], $0xffff;
	v3 =	vmul.f32 v15, v14  }
0x2c9: {  	vm2 =	vmmov vm6;
	vm1 =	vmmov vm7;
	v10 =	vld.idx.msk [tilespmem:v12+s2+$0x0], $0xffff;
	v12 =	vpop (erf);
	[tilespmem:s4+$0xFFFFFFF0] =	vst v8;
	v13 =	vsel vm5, v2, v13  }
0x2ca: {  	v17 =	vand.u32 $0x7FFFFFFF, v1;
	v8 =	vld.idx.msk [tilespmem:v20+s2+$0x0], $0xffff;
	v2 =	vsub.f32 $1.000000000e+00, v12;
	v16 =	vadd.f32 $1.000000000e+00, v12;
	[tilespmem:s4+$0x0] =	vst v13  }
0x2cb: {  	v15 =	vmul.f32 $-2.000000000e+00, v17;
	v13 =	vsub.f32 $1.000000000e+00, v19;
	v12 =	vld.idx.msk [tilespmem:v9+s2+$0x0], $0xffff;
	v14 =	vpop (erf);
	v9 =	vsub.f32 $0.0e+00, v3  }
0x2cc: {  	_ =	sdelay $0x3  }
0x2cd: {  	v17 =	vadd.f32 $1.000000000e+00, v14;
	v7 =	vld.idx.msk [tilespmem:v7+s2+$0x0], $0xffff  }
0x2ce: {  	(erf) = vrcp.f32 v16;
	v6 =	vld.idx.msk [tilespmem:v6+s2+$0x0], $0xffff;
	v15 =	vmul.f32 $1.442695020e+00, v15  }
0x2cf: {  	v5 =	vld.idx.msk [tilespmem:v5+s2+$0x0], $0xffff;
	(erf) = vrcp.f32 v17  }
0x2d0: {  	v52 =	vpop (erf);
	v4 =	vld.idx.msk [tilespmem:v4+s2+$0x0], $0xffff;
	(erf) = vpow2.f32 v15  }
0x2d1: {  	v11 =	vand.u32 $0xFFFF0000, v11;
	v53 =	vpop (erf);
	v10 =	vshll.u32 v10, $0x10  }
0x2d2: {  	v55 =	vadd.f32 $1.000000000e+00, v53;
	v56 =	vpop (erf);
	v10 =	vadd.f32 v10, v11  }
0x2d3: {  	v8 =	vand.u32 $0xFFFF0000, v8;
	v57 =	vadd.f32 $1.000000000e+00, v56;
	v54 =	vshll.u32 v12, $0x10  }
0x2d4: {  	v8 =	vadd.f32 v54, v8;
	v18 =	vand.u32 $0x7FFFFFFF, v10;
	v7 =	vand.u32 $0xFFFF0000, v7  }
0x2d5: {  	v6 =	vshll.u32 v6, $0x10;
	v5 =	vand.u32 $0xFFFF0000, v5;
	v4 =	vshll.u32 v4, $0x10  }
0x2d6: {  	v18 =	vmul.f32 $-2.000000000e+00, v18;
	v6 =	vadd.f32 v6, v7;
	v19 =	vand.u32 $0x7FFFFFFF, v8  }
0x2d7: {  	(erf) = vrcp.f32 v55;
	v4 =	vadd.f32 v4, v5;
	v58 =	vmul.f32 $-2.000000000e+00, v19;
	v59 =	vpop (erf)  }
0x2d8: {  	(erf) = vrcp.f32 v57;
	v60 =	vmul.f32 $1.442695020e+00, v18;
	v61 =	vand.u32 $0x7FFFFFFF, v6;
	v62 =	vpop (erf)  }
0x2d9: {  	v63 =	vand.u32 $0x7FFFFFFF, v4;
	v18 =	vmul.f32 $-2.000000000e+00, v61;
	v7 =	vmul.f32 $1.442695020e+00, v58;
	v20 =	vpop (erf)  }
0x2da: {  	v23 =	vmul.f32 $-2.000000000e+00, v63;
	(erf) = vpow2.f32 v60;
	v24 =	vadd.f32 $1.000000000e+00, v20  }
0x2db: {  	v18 =	vmul.f32 $1.442695020e+00, v18;
	(erf) = vpow2.f32 v7  }
0x2dc: {  	v5 =	vmul.f32 $1.442695020e+00, v23;
	(erf) = vrcp.f32 v24  }
0x2dd: {  	(erf) = vpow2.f32 v18  }
0x2de: {  	(erf) = vpow2.f32 v5;
	_ =	sdelay $0x2  }
0x2df: {  	v25 =	vpop (erf)  }
0x2e0: {  	v27 =	vpop (erf)  }
0x2e1: {  	v29 =	vsub.f32 $1.000000000e+00, v14;
	vm0 =	vmmov vm0;
	v28 =	vpop (erf)  }
0x2e2: {  	vm5 =	vlt.f32 v0, $0.0e+00;
	vm3 =	vmmov vm3;
	vm4 =	vmmov vm4;
	v30 =	vpop (erf)  }
0x2e3: {  	vm15 =	vlt.f32 v1, $0.0e+00;
	v26 =	vmul.f32 v52, v13;
	v31 =	vadd.f32 $1.000000000e+00, v28;
	v32 =	vpop (erf)  }
0x2e4: {  	v3 =	vsel vm0, v9, v3;
	vm4 =	vmmov vm4;
	v33 =	vadd.f32 $1.000000000e+00, v30;
	v34 =	vpop (erf)  }
0x2e5: {  	v16 =	vsub.f32 $1.000000000e+00, v53;
	(erf) = vrcp.f32 v31;
	v35 =	vadd.f32 $1.000000000e+00, v34;
	v36 =	vpop (erf)  }
0x2e6: {  	v15 =	vsub.f32 $0.0e+00, v26;
	(erf) = vrcp.f32 v33;
	v37 =	vadd.f32 $1.000000000e+00, v36  }
0x2e7: {  	v39 =	vsub.f32 $1.000000000e+00, v56;
	vm10 =	vlt.f32 v10, $0.0e+00;
	(erf) = vrcp.f32 v35  }
0x2e8: {  	vm13 =	vmmov vm10;
	v2 =	vmul.f32 v59, v2;
	(erf) = vrcp.f32 v37  }
0x2e9: {  	vm6 =	vlt.f32 v8, $0.0e+00;
	vm11 =	vlt.f32 v6, $0.0e+00;
	v11 =	vmul.f32 v62, v29  }
0x2ea: {  	vm12 =	vlt.f32 v4, $0.0e+00;
	vm14 =	vmmov vm6;
	v38 =	vsub.f32 $0.0e+00, v2  }
0x2eb: {  	v7 =	vsel vm5, v15, v26;
	v40 =	vsub.f32 $0.0e+00, v11;
	v43 =	vmul.f32 v27, v39  }
0x2ec: {  	v44 =	vsub.f32 $1.000000000e+00, v20;
	v2 =	vsel vm2, v38, v2;
	v5 =	vmul.f32 v25, v16  }
0x2ed: {  	s3 =	sadd.s32 $0x50, s4;
	[tilespmem:s4+$0x10] =	vst v3;
	v42 =	vsel vm1, v40, v11;
	v46 =	vsub.f32 $0.0e+00, v43;
	v45 =	vsub.f32 $1.000000000e+00, v28  }
0x2ee: {  	[tilespmem:s3+$0x20] =	vst v7;
	v41 =	vsub.f32 $0.0e+00, v5;
	v0 =	vsub.f32 $1.000000000e+00, v30;
	v6 =	vmul.f32 v32, v44;
	v47 =	vpop (erf)  }
0x2ef: {  	[tilespmem:s3+$0xFFFFFFE0] =	vst v2;
	v48 =	vsel vm4, v46, v43;
	v49 =	vsub.f32 $1.000000000e+00, v34;
	v3 =	vmul.f32 v47, v45;
	v50 =	vpop (erf)  }
0x2f0: {  	[tilespmem:s3+$0xFFFFFFF0] =	vst v42;
	v51 =	vsub.f32 $0.0e+00, v6;
	v52 =	vsub.f32 $1.000000000e+00, v36;
	v0 =	vmul.f32 v50, v0;
	v53 =	vpop (erf)  }
0x2f1: {  	[tilespmem:s3+$0x10] =	vst v48;
	v5 =	vsel vm3, v41, v5;
	v54 =	vsub.f32 $0.0e+00, v3;
	v55 =	vmul.f32 v53, v49;
	v56 =	vpop (erf)  }
0x2f2: {  	[tilespmem:s3+$0x0] =	vst v5;
	s3 =	sadd.s32 $0x50, s3;
	v57 =	vsel vm15, v51, v6;
	v58 =	vsub.f32 $0.0e+00, v0;
	v59 =	vmul.f32 v56, v52  }
0x2f3: {  	vm0 =	vmmov vm12;
	[tilespmem:s3+$0x20] =	vst v57;
	v1 =	vsel vm13, v54, v3;
	v60 =	vsub.f32 $0.0e+00, v55  }
0x2f4: {  	vm2 =	vmmov vm11;
	[tilespmem:s3+$0xFFFFFFE0] =	vst v1;
	v0 =	vsel vm14, v58, v0;
	v61 =	vsub.f32 $0.0e+00, v59  }
0x2f5: {  	vm0 =	vmmov vm0;
	[tilespmem:s3+$0xFFFFFFF0] =	vst v0;
	v62 =	vsel vm2, v60, v55  }
0x2f6: {  	[tilespmem:s3+$0x0] =	vst v62;
	v63 =	vsel vm0, v61, v59  }
0x2f7: {  	s0 =	sadd.s32 $0x1, s0;
	[tilespmem:s3+$0x10] =	vst v63  }
0x2f8: {  	[hbm4b:s13+s2] =	stream.linear.scatter [tilespmem:s30], [sflag:$0x3], $0x7D0, $0x38;
	[tilespmem:$0x5980] =	vst v63  }
0x2f9: {  	p0 =	sne.s32 s0, s14;
	_ =	swait.ge [sflag:s1], $0x7D0  }
.Ltmp5:
0x2fa: {  	[sflag:s1] =	ssyncset.done $0x0;
	(pc) =	sbr.rel @p0 .LBB2_1-.Ltmp5, $4  }
0x2fb: {  	[sflag:s1] =	ssyncadd.s32 $0xFFFFF830  }
0x2fc: {  	_ =	swait.ge [sflag:s1], $0x7D0  }
0x2fd: {  	[sflag:s1] =	ssyncset.done $0x0  }
0x2fe: {  	[sflag:s1] =	ssyncadd.s32 $0xFFFFF830  }
0x2ff: {  	_ =	sfence.sel $0x180000  }
0x300: {  	[bflag:$0x0] =	sbarrier.arrive $0xFFFF  }
0x301: {  	_ =	strace $0x90000047  }
0x302: {  	s0 =	stileid.u32;
	[bflag:$0x2] =	sbarrier.arrive $0xFFFF  }
0x303: {  	p0 =	sne.s32 s0, $0x0;
	s0 =	rddreg [dreg:$0x3]  }
0x304: {  	s0 =	sadd.s32 @!p0 $0x100000, s0  }
0x305: {  	[sflag:s0] =	ssyncadd.tile.s32 @!p0 $0x1;
	_ =	shalt  }
.Lfunc_end2:
_tile_overlayer_lowered:
.L_overlay_start_2:
0x306: {  	(tag) =	ssettag $0x2  }
0x307: {  	s0 =	rddreg [dreg:$0x0];
	s2 =	stileid.u32  }
0x308: {  	s1 =	rddreg [dreg:$0x1];
	p0 =	sne.s32 s2, $0x0  }
0x309: {  	s3 =	rddreg [dreg:$0x2];
	[bflag:$0x3] =	sbarrier.arrive $0xFFFF;
	s2 =	simm.s32 @!p0 $0x1C04  }
0x30a: {  	[timem:s3], [sflag:s2] =	dma.local @!p0 [hbm:s0], s1  }
0x30b: {  	s0 =	simm.s32 @!p0 $0x4  }
0x30c: {  	_ =	swait.ge @!p0 [sflag:s0], s1  }
0x30d: {  	s1 =	ssub.s32 @!p0 $0x0, s1;
	[sflag:s0] =	ssyncset.done @!p0 $0x0  }
0x30e: {  	[sflag:s0] =	ssyncadd.s32 @!p0 s1  }
0x30f: {  	[bflag:$0x3] =	sbarrier.arrive $0xFFFF  }
0x310: {  	_ =	shalt  }

</sc_bundles>
